<compile_context>
chip_gen: v7x
topology: tpu7x:2x2x1
jax: 0.10.2.dev20260603
libtpu: 0.0.44.dev20260713+nightly
codegen_flags: <defaults>
</compile_context>

<pallas_src>
import functools

import jax
import jax.numpy as jnp
from jax import lax
from jax.experimental import pallas as pl
from jax.experimental.pallas import tpu as pltpu
from jax.experimental.pallas import tpu_sc as plsc

B = 1024
D = 128
K = 128000
TK = 5
NCAND = 8
CHUNK = 5120
NCOL = CHUNK // 128
NSTEPS = K // CHUNK
NSET = 2
NLVL = 2
MASK17 = (1 << 17) - 1
QSCALE = 4095.0
MAGIC = 12582912.0
KBIAS = 12224 << 17

SC_NC = 2
SC_NS = 16
NW = SC_NC * SC_NS
PERW = (B * NCAND) // NW
SUBG = 128


def _topk_body(t_ref, queue_ref, idx_ref, tn_s, keys_s):
    i = pl.program_id(0)

    @pl.when(i == 0)
    def _init():
        t = t_ref[...]
        n = jnp.sqrt(jnp.sum(t * t, axis=1, keepdims=True))
        tn_s[...] = t / jnp.maximum(n, 1e-12) * QSCALE
        keys_s[...] = jnp.zeros((B, NSET * NLVL * 128), jnp.float32)

    chunk = queue_ref[...]
    n = jnp.sqrt(jnp.sum(chunk * chunk, axis=1, keepdims=True))
    chunkn = chunk / jnp.maximum(n, 1e-12)
    st = lax.dot_general(tn_s[...], chunkn, (((1,), (1,)), ((), ())),
                         preferred_element_type=jnp.float32)
    qb = lax.bitcast_convert_type(st + MAGIC, jnp.int32)
    col = lax.broadcasted_iota(jnp.int32, (B, CHUNK), 1) + (KBIAS + i * CHUNK)
    key = lax.bitcast_convert_type((qb << 17) + col, jnp.float32)
    r = [[keys_s[:, (s * NLVL + k) * 128:(s * NLVL + k + 1) * 128]
          for k in range(NLVL)] for s in range(NSET)]
    for c in range(NCOL):
        v = key[:, c * 128:(c + 1) * 128]
        rs = r[c % NSET]
        for k in range(NLVL):
            hi = jnp.maximum(rs[k], v)
            v = jnp.minimum(rs[k], v)
            rs[k] = hi
    for s in range(NSET):
        for k in range(NLVL):
            keys_s[:, (s * NLVL + k) * 128:(s * NLVL + k + 1) * 128] = r[s][k]

    @pl.when(i == NSTEPS - 1)
    def _extract():
        s = [[keys_s[:, (j * NLVL + k) * 128:(j * NLVL + k + 1) * 128]
              for k in range(NLVL)] for j in range(NSET)]
        cols = []
        for _ in range(NCAND):
            m = jnp.max(jnp.maximum(s[0][0], s[1][0]), axis=1, keepdims=True)
            ik = lax.bitcast_convert_type(m, jnp.int32)
            cols.append(ik & MASK17)
            for j in range(NSET):
                f = s[j][0] == m
                for k in range(NLVL - 1):
                    s[j][k] = jnp.where(f, s[j][k + 1], s[j][k])
                s[j][NLVL - 1] = jnp.where(f, 0.0, s[j][NLVL - 1])
        idx_ref[...] = jnp.concatenate(cols, axis=1)


def _topk_indices(current_target, queue):
    return pl.pallas_call(
        _topk_body,
        grid=(NSTEPS,),
        in_specs=[
            pl.BlockSpec((B, D), lambda i: (0, 0)),
            pl.BlockSpec((CHUNK, D), lambda i: (i, 0)),
        ],
        out_specs=pl.BlockSpec((B, NCAND), lambda i: (0, 0)),
        out_shape=jax.ShapeDtypeStruct((B, NCAND), jnp.int32),
        scratch_shapes=[
            pltpu.VMEM((B, D), jnp.float32),
            pltpu.VMEM((B, NSET * NLVL * 128), jnp.float32),
        ],
    )(current_target, queue)


def _sc_gather(queue, labels_queue, idx_flat):
    mesh = plsc.VectorSubcoreMesh(core_axis_name="c", subcore_axis_name="s")

    @functools.partial(
        pl.kernel,
        mesh=mesh,
        out_type=[
            jax.ShapeDtypeStruct((B * NCAND, D), jnp.float32),
            jax.ShapeDtypeStruct((B * NCAND,), jnp.int32),
        ],
        scratch_types=[
            pltpu.VMEM((PERW,), jnp.int32),
            pltpu.VMEM((PERW, D), jnp.float32),
            pltpu.VMEM((PERW,), jnp.int32),
            pltpu.SemaphoreType.DMA,
            pltpu.SemaphoreType.DMA,
        ],
    )
    def k(queue_hbm, lblq_hbm, idx_hbm, rows_out, lbl_out, idx_v, rows_v, lbl_v, sem, sem2):
        wid = lax.axis_index("s") * SC_NC + lax.axis_index("c")
        base = wid * PERW
        pltpu.sync_copy(idx_hbm.at[pl.ds(base, PERW)], idx_v)
        copies = []
        for g in range(PERW // SUBG):
            off = g * SUBG
            copies.append(pltpu.async_copy(
                queue_hbm.at[idx_v.at[pl.ds(off, SUBG)]],
                rows_v.at[pl.ds(off, SUBG)], sem))
            copies.append(pltpu.async_copy(
                lblq_hbm.at[idx_v.at[pl.ds(off, SUBG)]],
                lbl_v.at[pl.ds(off, SUBG)], sem2))
        for c in copies:
            c.wait()
        pltpu.sync_copy(rows_v, rows_out.at[pl.ds(base, PERW)])
        pltpu.sync_copy(lbl_v, lbl_out.at[pl.ds(base, PERW)])

    return k(queue, labels_queue, idx_flat)


def _finish_body(q_ref, t_ref, rows_ref, lblg_ref, labels_ref, loss_ref, pur_ref):
    q = q_ref[...]
    qn = q / jnp.maximum(jnp.sqrt(jnp.sum(q * q, axis=1, keepdims=True)), 1e-12)
    t = t_ref[...]
    tn = t / jnp.maximum(jnp.sqrt(jnp.sum(t * t, axis=1, keepdims=True)), 1e-12)
    lab = labels_ref[...]
    dts, dqs, mts = [], [], []
    for j in range(NCAND):
        g = rows_ref[pl.ds(j * B, B), :]
        rin = 1.0 / jnp.maximum(
            jnp.sqrt(jnp.sum(g * g, axis=1, keepdims=True)), 1e-12)
        dts.append(jnp.sum(tn * g, axis=1, keepdims=True) * rin)
        dqs.append(2.0 - 2.0 * (jnp.sum(qn * g, axis=1, keepdims=True) * rin))
        lj = lblg_ref[pl.ds(j * B, B), :]
        mts.append((lj == lab).astype(jnp.float32))
    simt = jnp.concatenate(dts, axis=1)
    dq = jnp.concatenate(dqs, axis=1)
    mt = jnp.concatenate(mts, axis=1)
    lane = lax.broadcasted_iota(jnp.int32, (B, NCAND), 1)
    lacc = jnp.zeros((B, 1), jnp.float32)
    macc = jnp.zeros((B, 1), jnp.float32)
    for _ in range(TK):
        p = jnp.argmax(simt, axis=1).astype(jnp.int32)
        oh = lane == p[:, None]
        lacc = lacc + jnp.sum(jnp.where(oh, dq, 0.0), axis=1, keepdims=True)
        macc = macc + jnp.sum(jnp.where(oh, mt, 0.0), axis=1, keepdims=True)
        simt = jnp.where(oh, -jnp.inf, simt)
    loss_ref[...] = (jnp.sum(lacc) / (TK * B)).reshape(1, 1)
    pur_ref[...] = (jnp.sum(macc) / (TK * B)).reshape(1, 1)


def _finish(query, current_target, rows, lblg, labels):
    return pl.pallas_call(
        _finish_body,
        out_shape=[
            jax.ShapeDtypeStruct((1, 1), jnp.float32),
            jax.ShapeDtypeStruct((1, 1), jnp.float32),
        ],
    )(query, current_target, rows, lblg, labels)


def kernel(query, current_target, labels, queue, labels_queue):
    idx = _topk_indices(current_target, queue)
    idx_flat = idx.T.reshape(-1)
    rows, lblg = _sc_gather(queue, labels_queue, idx_flat)
    loss, pur = _finish(query, current_target, rows,
                        lblg.reshape(-1, 1), labels.reshape(-1, 1))
    return (loss.reshape(()), pur.reshape(()))

# --- scband reference (transcript-rebuilt; emitter-appended) ---
"""Pipeline reference for scband-mean-shift-28381143892902 (READ-ONLY COPY).

The authoritative reference and input builder live on the scoring server;
editing this copy changes nothing except your own understanding.
"""

import jax, jax.numpy as jnp
import numpy as np

TOPK = 5


def _l2_normalize(x, axis=1, eps=1e-12):
    n = jnp.sqrt(jnp.sum(x * x, axis=axis, keepdims=True))
    return x / jnp.maximum(n, eps)


def setup_inputs(seed: int = 0) -> dict:
    key = jax.random.key(seed)
    k1, k2, k3, k4, k5 = jax.random.split(key, 5)
    B, D, K = 1024, 128, 128000
    query = jax.random.normal(k1, (B, D), dtype=jnp.float32)
    current_target = jax.random.normal(k2, (B, D), dtype=jnp.float32)
    labels = jax.random.randint(k3, (B,), 0, 1000, dtype=jnp.int64 if jax.config.jax_enable_x64 else jnp.int32).astype(jnp.int32)
    queue = jax.random.normal(k4, (K, D), dtype=jnp.float32)
    labels_queue = jax.random.randint(k5, (K,), 0, 1000, dtype=jnp.int32)
    return {
        "query": query,
        "current_target": current_target,
        "labels": labels,
        "queue": queue,
        "labels_queue": labels_queue,
    }


def reference(query, current_target, labels, queue, labels_queue):
    # Faithful translation of the retrieval/kNN core of MeanShift.forward.
    # query = predict_q(encoder_q(im_q)) -> normalized
    q = _l2_normalize(query, axis=1)
    # current_target = encoder_t(im_t) -> normalized (no_grad in original)
    t = jax.lax.stop_gradient(_l2_normalize(current_target, axis=1))
    # queue buffer is stored L2-normalized
    targets = jax.lax.stop_gradient(_l2_normalize(queue, axis=1))
    # dist = 2 - 2 * <a, b>  (squared euclidean on unit sphere)
    dist_t = 2.0 - 2.0 * jnp.einsum('bc,kc->bk', t, targets)
    dist_q = 2.0 - 2.0 * jnp.einsum('bc,kc->bk', q, targets)
    # topk smallest dist_t == topk largest of -dist_t
    _, nn_index = jax.lax.top_k(-dist_t, TOPK)
    nn_dist_q = jnp.take_along_axis(dist_q, nn_index, axis=1)
    labels_exp = jnp.broadcast_to(labels[:, None], nn_dist_q.shape)
    lbl_q = jnp.take(labels_queue, nn_index, axis=0)
    matches = (lbl_q == labels_exp).astype(jnp.float32)
    loss = jnp.mean(jnp.sum(nn_dist_q, axis=1) / TOPK)
    purity = jnp.mean(jnp.sum(matches, axis=1) / TOPK)
    return (loss, purity)

if __name__ == "__main__":
    import jax
    _d = setup_inputs()
    print(jax.jit(kernel)(*tuple(_d.values())))

</pallas_src>

<mosaic_0001>
#map = affine_map<(d0, d1) -> (0, 0)>
#map1 = affine_map<(d0, d1) -> (0)>
module attributes {stable_mosaic.version = 14 : i64} {
  func.func @k(%arg0: i32, %arg1: i32, %arg2: memref<128000x128xf32, #tpu.memory_space<hbm>>, %arg3: memref<128000xi32, #tpu.memory_space<hbm>>, %arg4: memref<8192xi32, #tpu.memory_space<hbm>>, %arg5: memref<8192x128xf32, #tpu.memory_space<hbm>>, %arg6: memref<8192xi32, #tpu.memory_space<hbm>>, %arg7: memref<256xi32, #tpu.memory_space<vmem>>, %arg8: memref<256x128xf32, #tpu.memory_space<vmem>>, %arg9: memref<256xi32, #tpu.memory_space<vmem>>, %arg10: memref<!tpu.dma_semaphore, #tpu.memory_space<semaphore_mem>>, %arg11: memref<!tpu.dma_semaphore, #tpu.memory_space<semaphore_mem>>) attributes {dimension_semantics = [#tpu.dimension_semantics<core_parallel>, #tpu.dimension_semantics<subcore_parallel>], iteration_bounds = array<i64: 2, 16>, scalar_prefetch = 0 : i64, scratch_operands = 5 : i64, tpu.core_type = #tpu.core_type<sc_vector_subcore>, window_params = [{transform_indices = #map}, {transform_indices = #map1}, {transform_indices = #map1}, {transform_indices = #map}, {transform_indices = #map1}]} {
    %mul3A = arith.constant 2 : i32
    %mul3A_0 = arith.muli %arg1, %mul3A : i32
    %add3A = arith.addi %mul3A_0, %arg0 : i32
    %mul3A_1 = arith.constant 256 : i32
    %mul3A_2 = arith.muli %add3A, %mul3A_1 : i32
    "tpu.region"() ({
      %run_scoped3A = tpu.sem_alloc : memref<!tpu.dma_semaphore, #tpu.memory_space<semaphore_mem>>
      %dma_start3A_57 = tpu.memref_slice %arg4[%mul3A_2] : memref<8192xi32, #tpu.memory_space<hbm>> -> memref<256xi32, #tpu.memory_space<hbm>>
      %dma_start3A_58 = tpu.memref_slice %arg4[%mul3A_2] : memref<8192xi32, #tpu.memory_space<hbm>> -> memref<256xi32, #tpu.memory_space<hbm>>
      tpu.enqueue_dma source(%dma_start3A_58 : memref<256xi32, #tpu.memory_space<hbm>>) target(%arg7 : memref<256xi32, #tpu.memory_space<vmem>>) target_semaphore(%run_scoped3A : memref<!tpu.dma_semaphore, #tpu.memory_space<semaphore_mem>>)
      %dma_wait3A_59 = tpu.memref_slice %arg4[%mul3A_2] : memref<8192xi32, #tpu.memory_space<hbm>> -> memref<256xi32, #tpu.memory_space<hbm>>
      %dma_wait3A_60 = tpu.memref_slice %arg4[%mul3A_2] : memref<8192xi32, #tpu.memory_space<hbm>> -> memref<256xi32, #tpu.memory_space<hbm>>
      tpu.wait_dma2 semaphore(%run_scoped3A : memref<!tpu.dma_semaphore, #tpu.memory_space<semaphore_mem>>) src(%dma_wait3A_60 : memref<256xi32, #tpu.memory_space<hbm>>) dst(%arg7 : memref<256xi32, #tpu.memory_space<vmem>>)
      tpu.yield
    }) : () -> ()
    %dma_start3A = arith.constant 0 : i32
    %dma_start3A_3 = arith.constant 0 : i32
    %dma_start3A_4 = tpu.memref_slice %arg8[%dma_start3A, %dma_start3A_3] : memref<256x128xf32, #tpu.memory_space<vmem>> -> memref<128x128xf32, #tpu.memory_space<vmem>>
    %dma_start3A_5 = arith.constant 0 : i32
    %dma_start3A_6 = tpu.memref_slice %arg7[%dma_start3A_5] : memref<256xi32, #tpu.memory_space<vmem>> -> memref<128xi32, #tpu.memory_space<vmem>>
    %dma_start3A_7 = arith.constant 0 : i32
    %dma_start3A_8 = arith.constant 0 : i32
    %dma_start3A_9 = tpu.memref_slice %arg2[%dma_start3A_7, %dma_start3A_8] : memref<128000x128xf32, #tpu.memory_space<hbm>> -> memref<128000x128xf32, #tpu.memory_space<hbm>>
    tpu.enqueue_indirect_dma source(%dma_start3A_9 : memref<128000x128xf32, #tpu.memory_space<hbm>>) target(%dma_start3A_4 : memref<128x128xf32, #tpu.memory_space<vmem>>) offsets(%dma_start3A_6 : memref<128xi32, #tpu.memory_space<vmem>>) semaphore(%arg10 : memref<!tpu.dma_semaphore, #tpu.memory_space<semaphore_mem>>)
    %dma_start3A_10 = arith.constant 0 : i32
    %dma_start3A_11 = tpu.memref_slice %arg9[%dma_start3A_10] : memref<256xi32, #tpu.memory_space<vmem>> -> memref<128xi32, #tpu.memory_space<vmem>>
    %dma_start3A_12 = arith.constant 0 : i32
    %dma_start3A_13 = tpu.memref_slice %arg7[%dma_start3A_12] : memref<256xi32, #tpu.memory_space<vmem>> -> memref<128xi32, #tpu.memory_space<vmem>>
    %dma_start3A_14 = arith.constant 0 : i32
    %dma_start3A_15 = tpu.memref_slice %arg3[%dma_start3A_14] : memref<128000xi32, #tpu.memory_space<hbm>> -> memref<128000xi32, #tpu.memory_space<hbm>>
    tpu.enqueue_indirect_dma source(%dma_start3A_15 : memref<128000xi32, #tpu.memory_space<hbm>>) target(%dma_start3A_11 : memref<128xi32, #tpu.memory_space<vmem>>) offsets(%dma_start3A_13 : memref<128xi32, #tpu.memory_space<vmem>>) semaphore(%arg11 : memref<!tpu.dma_semaphore, #tpu.memory_space<semaphore_mem>>)
    %dma_start3A_16 = arith.constant 128 : i32
    %dma_start3A_17 = arith.constant 0 : i32
    %dma_start3A_18 = tpu.memref_slice %arg8[%dma_start3A_16, %dma_start3A_17] : memref<256x128xf32, #tpu.memory_space<vmem>> -> memref<128x128xf32, #tpu.memory_space<vmem>>
    %dma_start3A_19 = arith.constant 128 : i32
    %dma_start3A_20 = tpu.memref_slice %arg7[%dma_start3A_19] : memref<256xi32, #tpu.memory_space<vmem>> -> memref<128xi32, #tpu.memory_space<vmem>>
    %dma_start3A_21 = arith.constant 0 : i32
    %dma_start3A_22 = arith.constant 0 : i32
    %dma_start3A_23 = tpu.memref_slice %arg2[%dma_start3A_21, %dma_start3A_22] : memref<128000x128xf32, #tpu.memory_space<hbm>> -> memref<128000x128xf32, #tpu.memory_space<hbm>>
    tpu.enqueue_indirect_dma source(%dma_start3A_23 : memref<128000x128xf32, #tpu.memory_space<hbm>>) target(%dma_start3A_18 : memref<128x128xf32, #tpu.memory_space<vmem>>) offsets(%dma_start3A_20 : memref<128xi32, #tpu.memory_space<vmem>>) semaphore(%arg10 : memref<!tpu.dma_semaphore, #tpu.memory_space<semaphore_mem>>)
    %dma_start3A_24 = arith.constant 128 : i32
    %dma_start3A_25 = tpu.memref_slice %arg9[%dma_start3A_24] : memref<256xi32, #tpu.memory_space<vmem>> -> memref<128xi32, #tpu.memory_space<vmem>>
    %dma_start3A_26 = arith.constant 128 : i32
    %dma_start3A_27 = tpu.memref_slice %arg7[%dma_start3A_26] : memref<256xi32, #tpu.memory_space<vmem>> -> memref<128xi32, #tpu.memory_space<vmem>>
    %dma_start3A_28 = arith.constant 0 : i32
    %dma_start3A_29 = tpu.memref_slice %arg3[%dma_start3A_28] : memref<128000xi32, #tpu.memory_space<hbm>> -> memref<128000xi32, #tpu.memory_space<hbm>>
    tpu.enqueue_indirect_dma source(%dma_start3A_29 : memref<128000xi32, #tpu.memory_space<hbm>>) target(%dma_start3A_25 : memref<128xi32, #tpu.memory_space<vmem>>) offsets(%dma_start3A_27 : memref<128xi32, #tpu.memory_space<vmem>>) semaphore(%arg11 : memref<!tpu.dma_semaphore, #tpu.memory_space<semaphore_mem>>)
    %dma_wait3A = arith.constant 0 : i32
    %dma_wait3A_30 = arith.constant 0 : i32
    %dma_wait3A_31 = tpu.memref_slice %arg8[%dma_wait3A, %dma_wait3A_30] : memref<256x128xf32, #tpu.memory_space<vmem>> -> memref<128x128xf32, #tpu.memory_space<vmem>>
    %dma_wait3A_32 = arith.constant 0 : i32
    %dma_wait3A_33 = tpu.memref_slice %arg7[%dma_wait3A_32] : memref<256xi32, #tpu.memory_space<vmem>> -> memref<128xi32, #tpu.memory_space<vmem>>
    %dma_wait3A_34 = arith.constant 0 : i32
    %dma_wait3A_35 = arith.constant 0 : i32
    %dma_wait3A_36 = tpu.memref_slice %arg2[%dma_wait3A_34, %dma_wait3A_35] : memref<128000x128xf32, #tpu.memory_space<hbm>> -> memref<128000x128xf32, #tpu.memory_space<hbm>>
    tpu.wait_indirect_dma semaphore(%arg10 : memref<!tpu.dma_semaphore, #tpu.memory_space<semaphore_mem>>) src(%dma_wait3A_36 : memref<128000x128xf32, #tpu.memory_space<hbm>>) dst(%dma_wait3A_31 : memref<128x128xf32, #tpu.memory_space<vmem>>)
    %dma_wait3A_37 = arith.constant 0 : i32
    %dma_wait3A_38 = tpu.memref_slice %arg9[%dma_wait3A_37] : memref<256xi32, #tpu.memory_space<vmem>> -> memref<128xi32, #tpu.memory_space<vmem>>
    %dma_wait3A_39 = arith.constant 0 : i32
    %dma_wait3A_40 = tpu.memref_slice %arg7[%dma_wait3A_39] : memref<256xi32, #tpu.memory_space<vmem>> -> memref<128xi32, #tpu.memory_space<vmem>>
    %dma_wait3A_41 = arith.constant 0 : i32
    %dma_wait3A_42 = tpu.memref_slice %arg3[%dma_wait3A_41] : memref<128000xi32, #tpu.memory_space<hbm>> -> memref<128000xi32, #tpu.memory_space<hbm>>
    tpu.wait_indirect_dma semaphore(%arg11 : memref<!tpu.dma_semaphore, #tpu.memory_space<semaphore_mem>>) src(%dma_wait3A_42 : memref<128000xi32, #tpu.memory_space<hbm>>) dst(%dma_wait3A_38 : memref<128xi32, #tpu.memory_space<vmem>>)
    %dma_wait3A_43 = arith.constant 128 : i32
    %dma_wait3A_44 = arith.constant 0 : i32
    %dma_wait3A_45 = tpu.memref_slice %arg8[%dma_wait3A_43, %dma_wait3A_44] : memref<256x128xf32, #tpu.memory_space<vmem>> -> memref<128x128xf32, #tpu.memory_space<vmem>>
    %dma_wait3A_46 = arith.constant 128 : i32
    %dma_wait3A_47 = tpu.memref_slice %arg7[%dma_wait3A_46] : memref<256xi32, #tpu.memory_space<vmem>> -> memref<128xi32, #tpu.memory_space<vmem>>
    %dma_wait3A_48 = arith.constant 0 : i32
    %dma_wait3A_49 = arith.constant 0 : i32
    %dma_wait3A_50 = tpu.memref_slice %arg2[%dma_wait3A_48, %dma_wait3A_49] : memref<128000x128xf32, #tpu.memory_space<hbm>> -> memref<128000x128xf32, #tpu.memory_space<hbm>>
    tpu.wait_indirect_dma semaphore(%arg10 : memref<!tpu.dma_semaphore, #tpu.memory_space<semaphore_mem>>) src(%dma_wait3A_50 : memref<128000x128xf32, #tpu.memory_space<hbm>>) dst(%dma_wait3A_45 : memref<128x128xf32, #tpu.memory_space<vmem>>)
    %dma_wait3A_51 = arith.constant 128 : i32
    %dma_wait3A_52 = tpu.memref_slice %arg9[%dma_wait3A_51] : memref<256xi32, #tpu.memory_space<vmem>> -> memref<128xi32, #tpu.memory_space<vmem>>
    %dma_wait3A_53 = arith.constant 128 : i32
    %dma_wait3A_54 = tpu.memref_slice %arg7[%dma_wait3A_53] : memref<256xi32, #tpu.memory_space<vmem>> -> memref<128xi32, #tpu.memory_space<vmem>>
    %dma_wait3A_55 = arith.constant 0 : i32
    %dma_wait3A_56 = tpu.memref_slice %arg3[%dma_wait3A_55] : memref<128000xi32, #tpu.memory_space<hbm>> -> memref<128000xi32, #tpu.memory_space<hbm>>
    tpu.wait_indirect_dma semaphore(%arg11 : memref<!tpu.dma_semaphore, #tpu.memory_space<semaphore_mem>>) src(%dma_wait3A_56 : memref<128000xi32, #tpu.memory_space<hbm>>) dst(%dma_wait3A_52 : memref<128xi32, #tpu.memory_space<vmem>>)
    "tpu.region"() ({
      %run_scoped3A = tpu.sem_alloc : memref<!tpu.dma_semaphore, #tpu.memory_space<semaphore_mem>>
      %dma_start3A_57 = arith.constant 0 : i32
      %dma_start3A_58 = tpu.memref_slice %arg5[%mul3A_2, %dma_start3A_57] : memref<8192x128xf32, #tpu.memory_space<hbm>> -> memref<256x128xf32, #tpu.memory_space<hbm>>
      %dma_start3A_59 = arith.constant 0 : i32
      %dma_start3A_60 = tpu.memref_slice %arg5[%mul3A_2, %dma_start3A_59] : memref<8192x128xf32, #tpu.memory_space<hbm>> -> memref<256x128xf32, #tpu.memory_space<hbm>>
      tpu.enqueue_dma source(%arg8 : memref<256x128xf32, #tpu.memory_space<vmem>>) target(%dma_start3A_60 : memref<256x128xf32, #tpu.memory_space<hbm>>) target_semaphore(%run_scoped3A : memref<!tpu.dma_semaphore, #tpu.memory_space<semaphore_mem>>)
      %dma_wait3A_61 = arith.constant 0 : i32
      %dma_wait3A_62 = tpu.memref_slice %arg5[%mul3A_2, %dma_wait3A_61] : memref<8192x128xf32, #tpu.memory_space<hbm>> -> memref<256x128xf32, #tpu.memory_space<hbm>>
      %dma_wait3A_63 = arith.constant 0 : i32
      %dma_wait3A_64 = tpu.memref_slice %arg5[%mul3A_2, %dma_wait3A_63] : memref<8192x128xf32, #tpu.memory_space<hbm>> -> memref<256x128xf32, #tpu.memory_space<hbm>>
      tpu.wait_dma2 semaphore(%run_scoped3A : memref<!tpu.dma_semaphore, #tpu.memory_space<semaphore_mem>>) src(%arg8 : memref<256x128xf32, #tpu.memory_space<vmem>>) dst(%dma_wait3A_64 : memref<256x128xf32, #tpu.memory_space<hbm>>)
      tpu.yield
    }) : () -> ()
    "tpu.region"() ({
      %run_scoped3A = tpu.sem_alloc : memref<!tpu.dma_semaphore, #tpu.memory_space<semaphore_mem>>
      %dma_start3A_57 = tpu.memref_slice %arg6[%mul3A_2] : memref<8192xi32, #tpu.memory_space<hbm>> -> memref<256xi32, #tpu.memory_space<hbm>>
      %dma_start3A_58 = tpu.memref_slice %arg6[%mul3A_2] : memref<8192xi32, #tpu.memory_space<hbm>> -> memref<256xi32, #tpu.memory_space<hbm>>
      tpu.enqueue_dma source(%arg9 : memref<256xi32, #tpu.memory_space<vmem>>) target(%dma_start3A_58 : memref<256xi32, #tpu.memory_space<hbm>>) target_semaphore(%run_scoped3A : memref<!tpu.dma_semaphore, #tpu.memory_space<semaphore_mem>>)
      %dma_wait3A_59 = tpu.memref_slice %arg6[%mul3A_2] : memref<8192xi32, #tpu.memory_space<hbm>> -> memref<256xi32, #tpu.memory_space<hbm>>
      %dma_wait3A_60 = tpu.memref_slice %arg6[%mul3A_2] : memref<8192xi32, #tpu.memory_space<hbm>> -> memref<256xi32, #tpu.memory_space<hbm>>
      tpu.wait_dma2 semaphore(%run_scoped3A : memref<!tpu.dma_semaphore, #tpu.memory_space<semaphore_mem>>) src(%arg9 : memref<256xi32, #tpu.memory_space<vmem>>) dst(%dma_wait3A_60 : memref<256xi32, #tpu.memory_space<hbm>>)
      tpu.yield
    }) : () -> ()
    return
  }
}

module attributes {stable_mosaic.version = 14 : i64} {
  func.func @_finish_body(%arg0: memref<1024x128xf32, #tpu.memory_space<vmem>>, %arg1: memref<1024x128xf32, #tpu.memory_space<vmem>>, %arg2: memref<8192x128xf32, #tpu.memory_space<vmem>>, %arg3: memref<8192x1xi32, #tpu.memory_space<vmem>>, %arg4: memref<1024x1xi32, #tpu.memory_space<vmem>>, %arg5: memref<1x1xf32, #tpu.memory_space<vmem>>, %arg6: memref<1x1xf32, #tpu.memory_space<vmem>>) attributes {dimension_semantics = [], scalar_prefetch = 0 : i64, scratch_operands = 0 : i64, tpu.core_type = #tpu.core_type<tc>} {
    %get3A = arith.constant 0 : index
    %get3A_0 = arith.constant 0 : index
    %get3A_1 = vector.load %arg0[%get3A, %get3A_0] : memref<1024x128xf32, #tpu.memory_space<vmem>>, vector<1024x128xf32>
    %mul3A = arith.mulf %get3A_1, %get3A_1 : vector<1024x128xf32>
    %reduce_sum3A = arith.constant dense<0.000000e+00> : vector<1024xf32>
    %reduce_sum3A_2 = vector.multi_reduction <add>, %mul3A, %reduce_sum3A [1] : vector<1024x128xf32> to vector<1024xf32>
    %broadcast_in_dim3A = vector.shape_cast %reduce_sum3A_2 : vector<1024xf32> to vector<1024x1xf32>
    %sqrt3A = math.sqrt %broadcast_in_dim3A : vector<1024x1xf32>
    %max3A = arith.constant 9.99999996E-13 : f32
    %max3A_3 = vector.broadcast %max3A : f32 to vector<1024x1xf32>
    %max3A_4 = arith.maximumf %sqrt3A, %max3A_3 : vector<1024x1xf32>
    %div3A = vector.broadcast %max3A_4 : vector<1024x1xf32> to vector<1024x128xf32>
    %div3A_5 = arith.divf %get3A_1, %div3A : vector<1024x128xf32>
    %get3A_6 = arith.constant 0 : index
    %get3A_7 = arith.constant 0 : index
    %get3A_8 = vector.load %arg1[%get3A_6, %get3A_7] : memref<1024x128xf32, #tpu.memory_space<vmem>>, vector<1024x128xf32>
    %mul3A_9 = arith.mulf %get3A_8, %get3A_8 : vector<1024x128xf32>
    %reduce_sum3A_10 = arith.constant dense<0.000000e+00> : vector<1024xf32>
    %reduce_sum3A_11 = vector.multi_reduction <add>, %mul3A_9, %reduce_sum3A_10 [1] : vector<1024x128xf32> to vector<1024xf32>
    %broadcast_in_dim3A_12 = vector.shape_cast %reduce_sum3A_11 : vector<1024xf32> to vector<1024x1xf32>
    %sqrt3A_13 = math.sqrt %broadcast_in_dim3A_12 : vector<1024x1xf32>
    %max3A_14 = arith.constant 9.99999996E-13 : f32
    %max3A_15 = vector.broadcast %max3A_14 : f32 to vector<1024x1xf32>
    %max3A_16 = arith.maximumf %sqrt3A_13, %max3A_15 : vector<1024x1xf32>
    %div3A_17 = vector.broadcast %max3A_16 : vector<1024x1xf32> to vector<1024x128xf32>
    %div3A_18 = arith.divf %get3A_8, %div3A_17 : vector<1024x128xf32>
    %get3A_19 = arith.constant 0 : index
    %get3A_20 = arith.constant 0 : index
    %get3A_21 = vector.load %arg4[%get3A_19, %get3A_20] : memref<1024x1xi32, #tpu.memory_space<vmem>>, vector<1024x1xi32>
    %get3A_22 = arith.constant 0 : index
    %get3A_23 = arith.constant 0 : index
    %get3A_24 = vector.load %arg2[%get3A_22, %get3A_23] : memref<8192x128xf32, #tpu.memory_space<vmem>>, vector<1024x128xf32>
    %mul3A_25 = arith.mulf %get3A_24, %get3A_24 : vector<1024x128xf32>
    %reduce_sum3A_26 = arith.constant dense<0.000000e+00> : vector<1024xf32>
    %reduce_sum3A_27 = vector.multi_reduction <add>, %mul3A_25, %reduce_sum3A_26 [1] : vector<1024x128xf32> to vector<1024xf32>
    %broadcast_in_dim3A_28 = vector.shape_cast %reduce_sum3A_27 : vector<1024xf32> to vector<1024x1xf32>
    %sqrt3A_29 = math.sqrt %broadcast_in_dim3A_28 : vector<1024x1xf32>
    %max3A_30 = arith.constant 9.99999996E-13 : f32
    %max3A_31 = vector.broadcast %max3A_30 : f32 to vector<1024x1xf32>
    %max3A_32 = arith.maximumf %sqrt3A_29, %max3A_31 : vector<1024x1xf32>
    %div3A_33 = arith.constant 1.000000e+00 : f32
    %div3A_34 = vector.broadcast %div3A_33 : f32 to vector<1024x1xf32>
    %div3A_35 = arith.divf %div3A_34, %max3A_32 : vector<1024x1xf32>
    %mul3A_36 = arith.mulf %div3A_18, %get3A_24 : vector<1024x128xf32>
    %reduce_sum3A_37 = arith.constant dense<0.000000e+00> : vector<1024xf32>
    %reduce_sum3A_38 = vector.multi_reduction <add>, %mul3A_36, %reduce_sum3A_37 [1] : vector<1024x128xf32> to vector<1024xf32>
    %broadcast_in_dim3A_39 = vector.shape_cast %reduce_sum3A_38 : vector<1024xf32> to vector<1024x1xf32>
    %mul3A_40 = arith.mulf %broadcast_in_dim3A_39, %div3A_35 : vector<1024x1xf32>
    %mul3A_41 = arith.mulf %div3A_5, %get3A_24 : vector<1024x128xf32>
    %reduce_sum3A_42 = arith.constant dense<0.000000e+00> : vector<1024xf32>
    %reduce_sum3A_43 = vector.multi_reduction <add>, %mul3A_41, %reduce_sum3A_42 [1] : vector<1024x128xf32> to vector<1024xf32>
    %broadcast_in_dim3A_44 = vector.shape_cast %reduce_sum3A_43 : vector<1024xf32> to vector<1024x1xf32>
    %mul3A_45 = arith.mulf %broadcast_in_dim3A_44, %div3A_35 : vector<1024x1xf32>
    %mul3A_46 = arith.constant 2.000000e+00 : f32
    %mul3A_47 = vector.broadcast %mul3A_46 : f32 to vector<1024x1xf32>
    %mul3A_48 = arith.mulf %mul3A_47, %mul3A_45 : vector<1024x1xf32>
    %sub3A = arith.constant 2.000000e+00 : f32
    %sub3A_49 = vector.broadcast %sub3A : f32 to vector<1024x1xf32>
    %sub3A_50 = arith.subf %sub3A_49, %mul3A_48 : vector<1024x1xf32>
    %get3A_51 = arith.constant 0 : index
    %get3A_52 = arith.constant 0 : index
    %get3A_53 = vector.load %arg3[%get3A_51, %get3A_52] : memref<8192x1xi32, #tpu.memory_space<vmem>>, vector<1024x1xi32>
    %eq3A = arith.cmpi eq, %get3A_53, %get3A_21 : vector<1024x1xi32>
    %convert_element_type3A = arith.extui %eq3A : vector<1024x1xi1> to vector<1024x1xi32>
    %convert_element_type3A_54 = arith.sitofp %convert_element_type3A : vector<1024x1xi32> to vector<1024x1xf32>
    %get3A_55 = arith.constant 1024 : index
    %get3A_56 = arith.constant 0 : index
    %get3A_57 = vector.load %arg2[%get3A_55, %get3A_56] : memref<8192x128xf32, #tpu.memory_space<vmem>>, vector<1024x128xf32>
    %mul3A_58 = arith.mulf %get3A_57, %get3A_57 : vector<1024x128xf32>
    %reduce_sum3A_59 = arith.constant dense<0.000000e+00> : vector<1024xf32>
    %reduce_sum3A_60 = vector.multi_reduction <add>, %mul3A_58, %reduce_sum3A_59 [1] : vector<1024x128xf32> to vector<1024xf32>
    %broadcast_in_dim3A_61 = vector.shape_cast %reduce_sum3A_60 : vector<1024xf32> to vector<1024x1xf32>
    %sqrt3A_62 = math.sqrt %broadcast_in_dim3A_61 : vector<1024x1xf32>
    %max3A_63 = arith.constant 9.99999996E-13 : f32
    %max3A_64 = vector.broadcast %max3A_63 : f32 to vector<1024x1xf32>
    %max3A_65 = arith.maximumf %sqrt3A_62, %max3A_64 : vector<1024x1xf32>
    %div3A_66 = arith.constant 1.000000e+00 : f32
    %div3A_67 = vector.broadcast %div3A_66 : f32 to vector<1024x1xf32>
    %div3A_68 = arith.divf %div3A_67, %max3A_65 : vector<1024x1xf32>
    %mul3A_69 = arith.mulf %div3A_18, %get3A_57 : vector<1024x128xf32>
    %reduce_sum3A_70 = arith.constant dense<0.000000e+00> : vector<1024xf32>
    %reduce_sum3A_71 = vector.multi_reduction <add>, %mul3A_69, %reduce_sum3A_70 [1] : vector<1024x128xf32> to vector<1024xf32>
    %broadcast_in_dim3A_72 = vector.shape_cast %reduce_sum3A_71 : vector<1024xf32> to vector<1024x1xf32>
    %mul3A_73 = arith.mulf %broadcast_in_dim3A_72, %div3A_68 : vector<1024x1xf32>
    %mul3A_74 = arith.mulf %div3A_5, %get3A_57 : vector<1024x128xf32>
    %reduce_sum3A_75 = arith.constant dense<0.000000e+00> : vector<1024xf32>
    %reduce_sum3A_76 = vector.multi_reduction <add>, %mul3A_74, %reduce_sum3A_75 [1] : vector<1024x128xf32> to vector<1024xf32>
    %broadcast_in_dim3A_77 = vector.shape_cast %reduce_sum3A_76 : vector<1024xf32> to vector<1024x1xf32>
    %mul3A_78 = arith.mulf %broadcast_in_dim3A_77, %div3A_68 : vector<1024x1xf32>
    %mul3A_79 = arith.constant 2.000000e+00 : f32
    %mul3A_80 = vector.broadcast %mul3A_79 : f32 to vector<1024x1xf32>
    %mul3A_81 = arith.mulf %mul3A_80, %mul3A_78 : vector<1024x1xf32>
    %sub3A_82 = arith.constant 2.000000e+00 : f32
    %sub3A_83 = vector.broadcast %sub3A_82 : f32 to vector<1024x1xf32>
    %sub3A_84 = arith.subf %sub3A_83, %mul3A_81 : vector<1024x1xf32>
    %get3A_85 = arith.constant 1024 : index
    %get3A_86 = arith.constant 0 : index
    %get3A_87 = vector.load %arg3[%get3A_85, %get3A_86] : memref<8192x1xi32, #tpu.memory_space<vmem>>, vector<1024x1xi32>
    %eq3A_88 = arith.cmpi eq, %get3A_87, %get3A_21 : vector<1024x1xi32>
    %convert_element_type3A_89 = arith.extui %eq3A_88 : vector<1024x1xi1> to vector<1024x1xi32>
    %convert_element_type3A_90 = arith.sitofp %convert_element_type3A_89 : vector<1024x1xi32> to vector<1024x1xf32>
    %get3A_91 = arith.constant 2048 : index
    %get3A_92 = arith.constant 0 : index
    %get3A_93 = vector.load %arg2[%get3A_91, %get3A_92] : memref<8192x128xf32, #tpu.memory_space<vmem>>, vector<1024x128xf32>
    %mul3A_94 = arith.mulf %get3A_93, %get3A_93 : vector<1024x128xf32>
    %reduce_sum3A_95 = arith.constant dense<0.000000e+00> : vector<1024xf32>
    %reduce_sum3A_96 = vector.multi_reduction <add>, %mul3A_94, %reduce_sum3A_95 [1] : vector<1024x128xf32> to vector<1024xf32>
    %broadcast_in_dim3A_97 = vector.shape_cast %reduce_sum3A_96 : vector<1024xf32> to vector<1024x1xf32>
    %sqrt3A_98 = math.sqrt %broadcast_in_dim3A_97 : vector<1024x1xf32>
    %max3A_99 = arith.constant 9.99999996E-13 : f32
    %max3A_100 = vector.broadcast %max3A_99 : f32 to vector<1024x1xf32>
    %max3A_101 = arith.maximumf %sqrt3A_98, %max3A_100 : vector<1024x1xf32>
    %div3A_102 = arith.constant 1.000000e+00 : f32
    %div3A_103 = vector.broadcast %div3A_102 : f32 to vector<1024x1xf32>
    %div3A_104 = arith.divf %div3A_103, %max3A_101 : vector<1024x1xf32>
    %mul3A_105 = arith.mulf %div3A_18, %get3A_93 : vector<1024x128xf32>
    %reduce_sum3A_106 = arith.constant dense<0.000000e+00> : vector<1024xf32>
    %reduce_sum3A_107 = vector.multi_reduction <add>, %mul3A_105, %reduce_sum3A_106 [1] : vector<1024x128xf32> to vector<1024xf32>
    %broadcast_in_dim3A_108 = vector.shape_cast %reduce_sum3A_107 : vector<1024xf32> to vector<1024x1xf32>
    %mul3A_109 = arith.mulf %broadcast_in_dim3A_108, %div3A_104 : vector<1024x1xf32>
    %mul3A_110 = arith.mulf %div3A_5, %get3A_93 : vector<1024x128xf32>
    %reduce_sum3A_111 = arith.constant dense<0.000000e+00> : vector<1024xf32>
    %reduce_sum3A_112 = vector.multi_reduction <add>, %mul3A_110, %reduce_sum3A_111 [1] : vector<1024x128xf32> to vector<1024xf32>
    %broadcast_in_dim3A_113 = vector.shape_cast %reduce_sum3A_112 : vector<1024xf32> to vector<1024x1xf32>
    %mul3A_114 = arith.mulf %broadcast_in_dim3A_113, %div3A_104 : vector<1024x1xf32>
    %mul3A_115 = arith.constant 2.000000e+00 : f32
    %mul3A_116 = vector.broadcast %mul3A_115 : f32 to vector<1024x1xf32>
    %mul3A_117 = arith.mulf %mul3A_116, %mul3A_114 : vector<1024x1xf32>
    %sub3A_118 = arith.constant 2.000000e+00 : f32
    %sub3A_119 = vector.broadcast %sub3A_118 : f32 to vector<1024x1xf32>
    %sub3A_120 = arith.subf %sub3A_119, %mul3A_117 : vector<1024x1xf32>
    %get3A_121 = arith.constant 2048 : index
    %get3A_122 = arith.constant 0 : index
    %get3A_123 = vector.load %arg3[%get3A_121, %get3A_122] : memref<8192x1xi32, #tpu.memory_space<vmem>>, vector<1024x1xi32>
    %eq3A_124 = arith.cmpi eq, %get3A_123, %get3A_21 : vector<1024x1xi32>
    %convert_element_type3A_125 = arith.extui %eq3A_124 : vector<1024x1xi1> to vector<1024x1xi32>
    %convert_element_type3A_126 = arith.sitofp %convert_element_type3A_125 : vector<1024x1xi32> to vector<1024x1xf32>
    %get3A_127 = arith.constant 3072 : index
    %get3A_128 = arith.constant 0 : index
    %get3A_129 = vector.load %arg2[%get3A_127, %get3A_128] : memref<8192x128xf32, #tpu.memory_space<vmem>>, vector<1024x128xf32>
    %mul3A_130 = arith.mulf %get3A_129, %get3A_129 : vector<1024x128xf32>
    %reduce_sum3A_131 = arith.constant dense<0.000000e+00> : vector<1024xf32>
    %reduce_sum3A_132 = vector.multi_reduction <add>, %mul3A_130, %reduce_sum3A_131 [1] : vector<1024x128xf32> to vector<1024xf32>
    %broadcast_in_dim3A_133 = vector.shape_cast %reduce_sum3A_132 : vector<1024xf32> to vector<1024x1xf32>
    %sqrt3A_134 = math.sqrt %broadcast_in_dim3A_133 : vector<1024x1xf32>
    %max3A_135 = arith.constant 9.99999996E-13 : f32
    %max3A_136 = vector.broadcast %max3A_135 : f32 to vector<1024x1xf32>
    %max3A_137 = arith.maximumf %sqrt3A_134, %max3A_136 : vector<1024x1xf32>
    %div3A_138 = arith.constant 1.000000e+00 : f32
    %div3A_139 = vector.broadcast %div3A_138 : f32 to vector<1024x1xf32>
    %div3A_140 = arith.divf %div3A_139, %max3A_137 : vector<1024x1xf32>
    %mul3A_141 = arith.mulf %div3A_18, %get3A_129 : vector<1024x128xf32>
    %reduce_sum3A_142 = arith.constant dense<0.000000e+00> : vector<1024xf32>
    %reduce_sum3A_143 = vector.multi_reduction <add>, %mul3A_141, %reduce_sum3A_142 [1] : vector<1024x128xf32> to vector<1024xf32>
    %broadcast_in_dim3A_144 = vector.shape_cast %reduce_sum3A_143 : vector<1024xf32> to vector<1024x1xf32>
    %mul3A_145 = arith.mulf %broadcast_in_dim3A_144, %div3A_140 : vector<1024x1xf32>
    %mul3A_146 = arith.mulf %div3A_5, %get3A_129 : vector<1024x128xf32>
    %reduce_sum3A_147 = arith.constant dense<0.000000e+00> : vector<1024xf32>
    %reduce_sum3A_148 = vector.multi_reduction <add>, %mul3A_146, %reduce_sum3A_147 [1] : vector<1024x128xf32> to vector<1024xf32>
    %broadcast_in_dim3A_149 = vector.shape_cast %reduce_sum3A_148 : vector<1024xf32> to vector<1024x1xf32>
    %mul3A_150 = arith.mulf %broadcast_in_dim3A_149, %div3A_140 : vector<1024x1xf32>
    %mul3A_151 = arith.constant 2.000000e+00 : f32
    %mul3A_152 = vector.broadcast %mul3A_151 : f32 to vector<1024x1xf32>
    %mul3A_153 = arith.mulf %mul3A_152, %mul3A_150 : vector<1024x1xf32>
    %sub3A_154 = arith.constant 2.000000e+00 : f32
    %sub3A_155 = vector.broadcast %sub3A_154 : f32 to vector<1024x1xf32>
    %sub3A_156 = arith.subf %sub3A_155, %mul3A_153 : vector<1024x1xf32>
    %get3A_157 = arith.constant 3072 : index
    %get3A_158 = arith.constant 0 : index
    %get3A_159 = vector.load %arg3[%get3A_157, %get3A_158] : memref<8192x1xi32, #tpu.memory_space<vmem>>, vector<1024x1xi32>
    %eq3A_160 = arith.cmpi eq, %get3A_159, %get3A_21 : vector<1024x1xi32>
    %convert_element_type3A_161 = arith.extui %eq3A_160 : vector<1024x1xi1> to vector<1024x1xi32>
    %convert_element_type3A_162 = arith.sitofp %convert_element_type3A_161 : vector<1024x1xi32> to vector<1024x1xf32>
    %get3A_163 = arith.constant 4096 : index
    %get3A_164 = arith.constant 0 : index
    %get3A_165 = vector.load %arg2[%get3A_163, %get3A_164] : memref<8192x128xf32, #tpu.memory_space<vmem>>, vector<1024x128xf32>
    %mul3A_166 = arith.mulf %get3A_165, %get3A_165 : vector<1024x128xf32>
    %reduce_sum3A_167 = arith.constant dense<0.000000e+00> : vector<1024xf32>
    %reduce_sum3A_168 = vector.multi_reduction <add>, %mul3A_166, %reduce_sum3A_167 [1] : vector<1024x128xf32> to vector<1024xf32>
    %broadcast_in_dim3A_169 = vector.shape_cast %reduce_sum3A_168 : vector<1024xf32> to vector<1024x1xf32>
    %sqrt3A_170 = math.sqrt %broadcast_in_dim3A_169 : vector<1024x1xf32>
    %max3A_171 = arith.constant 9.99999996E-13 : f32
    %max3A_172 = vector.broadcast %max3A_171 : f32 to vector<1024x1xf32>
    %max3A_173 = arith.maximumf %sqrt3A_170, %max3A_172 : vector<1024x1xf32>
    %div3A_174 = arith.constant 1.000000e+00 : f32
    %div3A_175 = vector.broadcast %div3A_174 : f32 to vector<1024x1xf32>
    %div3A_176 = arith.divf %div3A_175, %max3A_173 : vector<1024x1xf32>
    %mul3A_177 = arith.mulf %div3A_18, %get3A_165 : vector<1024x128xf32>
    %reduce_sum3A_178 = arith.constant dense<0.000000e+00> : vector<1024xf32>
    %reduce_sum3A_179 = vector.multi_reduction <add>, %mul3A_177, %reduce_sum3A_178 [1] : vector<1024x128xf32> to vector<1024xf32>
    %broadcast_in_dim3A_180 = vector.shape_cast %reduce_sum3A_179 : vector<1024xf32> to vector<1024x1xf32>
    %mul3A_181 = arith.mulf %broadcast_in_dim3A_180, %div3A_176 : vector<1024x1xf32>
    %mul3A_182 = arith.mulf %div3A_5, %get3A_165 : vector<1024x128xf32>
    %reduce_sum3A_183 = arith.constant dense<0.000000e+00> : vector<1024xf32>
    %reduce_sum3A_184 = vector.multi_reduction <add>, %mul3A_182, %reduce_sum3A_183 [1] : vector<1024x128xf32> to vector<1024xf32>
    %broadcast_in_dim3A_185 = vector.shape_cast %reduce_sum3A_184 : vector<1024xf32> to vector<1024x1xf32>
    %mul3A_186 = arith.mulf %broadcast_in_dim3A_185, %div3A_176 : vector<1024x1xf32>
    %mul3A_187 = arith.constant 2.000000e+00 : f32
    %mul3A_188 = vector.broadcast %mul3A_187 : f32 to vector<1024x1xf32>
    %mul3A_189 = arith.mulf %mul3A_188, %mul3A_186 : vector<1024x1xf32>
    %sub3A_190 = arith.constant 2.000000e+00 : f32
    %sub3A_191 = vector.broadcast %sub3A_190 : f32 to vector<1024x1xf32>
    %sub3A_192 = arith.subf %sub3A_191, %mul3A_189 : vector<1024x1xf32>
    %get3A_193 = arith.constant 4096 : index
    %get3A_194 = arith.constant 0 : index
    %get3A_195 = vector.load %arg3[%get3A_193, %get3A_194] : memref<8192x1xi32, #tpu.memory_space<vmem>>, vector<1024x1xi32>
    %eq3A_196 = arith.cmpi eq, %get3A_195, %get3A_21 : vector<1024x1xi32>
    %convert_element_type3A_197 = arith.extui %eq3A_196 : vector<1024x1xi1> to vector<1024x1xi32>
    %convert_element_type3A_198 = arith.sitofp %convert_element_type3A_197 : vector<1024x1xi32> to vector<1024x1xf32>
    %get3A_199 = arith.constant 5120 : index
    %get3A_200 = arith.constant 0 : index
    %get3A_201 = vector.load %arg2[%get3A_199, %get3A_200] : memref<8192x128xf32, #tpu.memory_space<vmem>>, vector<1024x128xf32>
    %mul3A_202 = arith.mulf %get3A_201, %get3A_201 : vector<1024x128xf32>
    %reduce_sum3A_203 = arith.constant dense<0.000000e+00> : vector<1024xf32>
    %reduce_sum3A_204 = vector.multi_reduction <add>, %mul3A_202, %reduce_sum3A_203 [1] : vector<1024x128xf32> to vector<1024xf32>
    %broadcast_in_dim3A_205 = vector.shape_cast %reduce_sum3A_204 : vector<1024xf32> to vector<1024x1xf32>
    %sqrt3A_206 = math.sqrt %broadcast_in_dim3A_205 : vector<1024x1xf32>
    %max3A_207 = arith.constant 9.99999996E-13 : f32
    %max3A_208 = vector.broadcast %max3A_207 : f32 to vector<1024x1xf32>
    %max3A_209 = arith.maximumf %sqrt3A_206, %max3A_208 : vector<1024x1xf32>
    %div3A_210 = arith.constant 1.000000e+00 : f32
    %div3A_211 = vector.broadcast %div3A_210 : f32 to vector<1024x1xf32>
    %div3A_212 = arith.divf %div3A_211, %max3A_209 : vector<1024x1xf32>
    %mul3A_213 = arith.mulf %div3A_18, %get3A_201 : vector<1024x128xf32>
    %reduce_sum3A_214 = arith.constant dense<0.000000e+00> : vector<1024xf32>
    %reduce_sum3A_215 = vector.multi_reduction <add>, %mul3A_213, %reduce_sum3A_214 [1] : vector<1024x128xf32> to vector<1024xf32>
    %broadcast_in_dim3A_216 = vector.shape_cast %reduce_sum3A_215 : vector<1024xf32> to vector<1024x1xf32>
    %mul3A_217 = arith.mulf %broadcast_in_dim3A_216, %div3A_212 : vector<1024x1xf32>
    %mul3A_218 = arith.mulf %div3A_5, %get3A_201 : vector<1024x128xf32>
    %reduce_sum3A_219 = arith.constant dense<0.000000e+00> : vector<1024xf32>
    %reduce_sum3A_220 = vector.multi_reduction <add>, %mul3A_218, %reduce_sum3A_219 [1] : vector<1024x128xf32> to vector<1024xf32>
    %broadcast_in_dim3A_221 = vector.shape_cast %reduce_sum3A_220 : vector<1024xf32> to vector<1024x1xf32>
    %mul3A_222 = arith.mulf %broadcast_in_dim3A_221, %div3A_212 : vector<1024x1xf32>
    %mul3A_223 = arith.constant 2.000000e+00 : f32
    %mul3A_224 = vector.broadcast %mul3A_223 : f32 to vector<1024x1xf32>
    %mul3A_225 = arith.mulf %mul3A_224, %mul3A_222 : vector<1024x1xf32>
    %sub3A_226 = arith.constant 2.000000e+00 : f32
    %sub3A_227 = vector.broadcast %sub3A_226 : f32 to vector<1024x1xf32>
    %sub3A_228 = arith.subf %sub3A_227, %mul3A_225 : vector<1024x1xf32>
    %get3A_229 = arith.constant 5120 : index
    %get3A_230 = arith.constant 0 : index
    %get3A_231 = vector.load %arg3[%get3A_229, %get3A_230] : memref<8192x1xi32, #tpu.memory_space<vmem>>, vector<1024x1xi32>
    %eq3A_232 = arith.cmpi eq, %get3A_231, %get3A_21 : vector<1024x1xi32>
    %convert_element_type3A_233 = arith.extui %eq3A_232 : vector<1024x1xi1> to vector<1024x1xi32>
    %convert_element_type3A_234 = arith.sitofp %convert_element_type3A_233 : vector<1024x1xi32> to vector<1024x1xf32>
    %get3A_235 = arith.constant 6144 : index
    %get3A_236 = arith.constant 0 : index
    %get3A_237 = vector.load %arg2[%get3A_235, %get3A_236] : memref<8192x128xf32, #tpu.memory_space<vmem>>, vector<1024x128xf32>
    %mul3A_238 = arith.mulf %get3A_237, %get3A_237 : vector<1024x128xf32>
    %reduce_sum3A_239 = arith.constant dense<0.000000e+00> : vector<1024xf32>
    %reduce_sum3A_240 = vector.multi_reduction <add>, %mul3A_238, %reduce_sum3A_239 [1] : vector<1024x128xf32> to vector<1024xf32>
    %broadcast_in_dim3A_241 = vector.shape_cast %reduce_sum3A_240 : vector<1024xf32> to vector<1024x1xf32>
    %sqrt3A_242 = math.sqrt %broadcast_in_dim3A_241 : vector<1024x1xf32>
    %max3A_243 = arith.constant 9.99999996E-13 : f32
    %max3A_244 = vector.broadcast %max3A_243 : f32 to vector<1024x1xf32>
    %max3A_245 = arith.maximumf %sqrt3A_242, %max3A_244 : vector<1024x1xf32>
    %div3A_246 = arith.constant 1.000000e+00 : f32
    %div3A_247 = vector.broadcast %div3A_246 : f32 to vector<1024x1xf32>
    %div3A_248 = arith.divf %div3A_247, %max3A_245 : vector<1024x1xf32>
    %mul3A_249 = arith.mulf %div3A_18, %get3A_237 : vector<1024x128xf32>
    %reduce_sum3A_250 = arith.constant dense<0.000000e+00> : vector<1024xf32>
    %reduce_sum3A_251 = vector.multi_reduction <add>, %mul3A_249, %reduce_sum3A_250 [1] : vector<1024x128xf32> to vector<1024xf32>
    %broadcast_in_dim3A_252 = vector.shape_cast %reduce_sum3A_251 : vector<1024xf32> to vector<1024x1xf32>
    %mul3A_253 = arith.mulf %broadcast_in_dim3A_252, %div3A_248 : vector<1024x1xf32>
    %mul3A_254 = arith.mulf %div3A_5, %get3A_237 : vector<1024x128xf32>
    %reduce_sum3A_255 = arith.constant dense<0.000000e+00> : vector<1024xf32>
    %reduce_sum3A_256 = vector.multi_reduction <add>, %mul3A_254, %reduce_sum3A_255 [1] : vector<1024x128xf32> to vector<1024xf32>
    %broadcast_in_dim3A_257 = vector.shape_cast %reduce_sum3A_256 : vector<1024xf32> to vector<1024x1xf32>
    %mul3A_258 = arith.mulf %broadcast_in_dim3A_257, %div3A_248 : vector<1024x1xf32>
    %mul3A_259 = arith.constant 2.000000e+00 : f32
    %mul3A_260 = vector.broadcast %mul3A_259 : f32 to vector<1024x1xf32>
    %mul3A_261 = arith.mulf %mul3A_260, %mul3A_258 : vector<1024x1xf32>
    %sub3A_262 = arith.constant 2.000000e+00 : f32
    %sub3A_263 = vector.broadcast %sub3A_262 : f32 to vector<1024x1xf32>
    %sub3A_264 = arith.subf %sub3A_263, %mul3A_261 : vector<1024x1xf32>
    %get3A_265 = arith.constant 6144 : index
    %get3A_266 = arith.constant 0 : index
    %get3A_267 = vector.load %arg3[%get3A_265, %get3A_266] : memref<8192x1xi32, #tpu.memory_space<vmem>>, vector<1024x1xi32>
    %eq3A_268 = arith.cmpi eq, %get3A_267, %get3A_21 : vector<1024x1xi32>
    %convert_element_type3A_269 = arith.extui %eq3A_268 : vector<1024x1xi1> to vector<1024x1xi32>
    %convert_element_type3A_270 = arith.sitofp %convert_element_type3A_269 : vector<1024x1xi32> to vector<1024x1xf32>
    %get3A_271 = arith.constant 7168 : index
    %get3A_272 = arith.constant 0 : index
    %get3A_273 = vector.load %arg2[%get3A_271, %get3A_272] : memref<8192x128xf32, #tpu.memory_space<vmem>>, vector<1024x128xf32>
    %mul3A_274 = arith.mulf %get3A_273, %get3A_273 : vector<1024x128xf32>
    %reduce_sum3A_275 = arith.constant dense<0.000000e+00> : vector<1024xf32>
    %reduce_sum3A_276 = vector.multi_reduction <add>, %mul3A_274, %reduce_sum3A_275 [1] : vector<1024x128xf32> to vector<1024xf32>
    %broadcast_in_dim3A_277 = vector.shape_cast %reduce_sum3A_276 : vector<1024xf32> to vector<1024x1xf32>
    %sqrt3A_278 = math.sqrt %broadcast_in_dim3A_277 : vector<1024x1xf32>
    %max3A_279 = arith.constant 9.99999996E-13 : f32
    %max3A_280 = vector.broadcast %max3A_279 : f32 to vector<1024x1xf32>
    %max3A_281 = arith.maximumf %sqrt3A_278, %max3A_280 : vector<1024x1xf32>
    %div3A_282 = arith.constant 1.000000e+00 : f32
    %div3A_283 = vector.broadcast %div3A_282 : f32 to vector<1024x1xf32>
    %div3A_284 = arith.divf %div3A_283, %max3A_281 : vector<1024x1xf32>
    %mul3A_285 = arith.mulf %div3A_18, %get3A_273 : vector<1024x128xf32>
    %reduce_sum3A_286 = arith.constant dense<0.000000e+00> : vector<1024xf32>
    %reduce_sum3A_287 = vector.multi_reduction <add>, %mul3A_285, %reduce_sum3A_286 [1] : vector<1024x128xf32> to vector<1024xf32>
    %broadcast_in_dim3A_288 = vector.shape_cast %reduce_sum3A_287 : vector<1024xf32> to vector<1024x1xf32>
    %mul3A_289 = arith.mulf %broadcast_in_dim3A_288, %div3A_284 : vector<1024x1xf32>
    %mul3A_290 = arith.mulf %div3A_5, %get3A_273 : vector<1024x128xf32>
    %reduce_sum3A_291 = arith.constant dense<0.000000e+00> : vector<1024xf32>
    %reduce_sum3A_292 = vector.multi_reduction <add>, %mul3A_290, %reduce_sum3A_291 [1] : vector<1024x128xf32> to vector<1024xf32>
    %broadcast_in_dim3A_293 = vector.shape_cast %reduce_sum3A_292 : vector<1024xf32> to vector<1024x1xf32>
    %mul3A_294 = arith.mulf %broadcast_in_dim3A_293, %div3A_284 : vector<1024x1xf32>
    %mul3A_295 = arith.constant 2.000000e+00 : f32
    %mul3A_296 = vector.broadcast %mul3A_295 : f32 to vector<1024x1xf32>
    %mul3A_297 = arith.mulf %mul3A_296, %mul3A_294 : vector<1024x1xf32>
    %sub3A_298 = arith.constant 2.000000e+00 : f32
    %sub3A_299 = vector.broadcast %sub3A_298 : f32 to vector<1024x1xf32>
    %sub3A_300 = arith.subf %sub3A_299, %mul3A_297 : vector<1024x1xf32>
    %get3A_301 = arith.constant 7168 : index
    %get3A_302 = arith.constant 0 : index
    %get3A_303 = vector.load %arg3[%get3A_301, %get3A_302] : memref<8192x1xi32, #tpu.memory_space<vmem>>, vector<1024x1xi32>
    %eq3A_304 = arith.cmpi eq, %get3A_303, %get3A_21 : vector<1024x1xi32>
    %convert_element_type3A_305 = arith.extui %eq3A_304 : vector<1024x1xi1> to vector<1024x1xi32>
    %convert_element_type3A_306 = arith.sitofp %convert_element_type3A_305 : vector<1024x1xi32> to vector<1024x1xf32>
    %concatenate3A = tpu.concatenate %mul3A_40, %mul3A_73, %mul3A_109, %mul3A_145, %mul3A_181, %mul3A_217, %mul3A_253, %mul3A_289 in 1 : vector<1024x1xf32>, vector<1024x1xf32>, vector<1024x1xf32>, vector<1024x1xf32>, vector<1024x1xf32>, vector<1024x1xf32>, vector<1024x1xf32>, vector<1024x1xf32> -> vector<1024x8xf32>
    %concatenate3A_307 = tpu.concatenate %sub3A_50, %sub3A_84, %sub3A_120, %sub3A_156, %sub3A_192, %sub3A_228, %sub3A_264, %sub3A_300 in 1 : vector<1024x1xf32>, vector<1024x1xf32>, vector<1024x1xf32>, vector<1024x1xf32>, vector<1024x1xf32>, vector<1024x1xf32>, vector<1024x1xf32>, vector<1024x1xf32> -> vector<1024x8xf32>
    %concatenate3A_308 = tpu.concatenate %convert_element_type3A_54, %convert_element_type3A_90, %convert_element_type3A_126, %convert_element_type3A_162, %convert_element_type3A_198, %convert_element_type3A_234, %convert_element_type3A_270, %convert_element_type3A_306 in 1 : vector<1024x1xf32>, vector<1024x1xf32>, vector<1024x1xf32>, vector<1024x1xf32>, vector<1024x1xf32>, vector<1024x1xf32>, vector<1024x1xf32>, vector<1024x1xf32> -> vector<1024x8xf32>
    %iota3A = tpu.iota {dimensions = array<i32: 1>} : vector<1024x8xi32>
    %broadcast_in_dim3A_309 = arith.constant 0.000000e+00 : f32
    %broadcast_in_dim3A_310 = vector.broadcast %broadcast_in_dim3A_309 : f32 to vector<1024x1xf32>
    %broadcast_in_dim3A_311 = arith.constant 0.000000e+00 : f32
    %broadcast_in_dim3A_312 = vector.broadcast %broadcast_in_dim3A_311 : f32 to vector<1024x1xf32>
    %argmax3A = tpu.reduce_index %concatenate3A {axis = 1 : i32, kind = #tpu.reduction_kind<arg_max>} : vector<1024x8xf32> -> vector<1024xi32>
    %broadcast_in_dim3A_313 = vector.shape_cast %argmax3A : vector<1024xi32> to vector<1024x1xi32>
    %eq3A_314 = vector.broadcast %broadcast_in_dim3A_313 : vector<1024x1xi32> to vector<1024x8xi32>
    %eq3A_315 = arith.cmpi eq, %iota3A, %eq3A_314 : vector<1024x8xi32>
    %jit3A = arith.constant 0.000000e+00 : f32
    %broadcast_in_dim3A_316 = vector.broadcast %jit3A : f32 to vector<1024x8xf32>
    %select_n3A = arith.select %eq3A_315, %concatenate3A_307, %broadcast_in_dim3A_316 : vector<1024x8xi1>, vector<1024x8xf32>
    %reduce_sum3A_317 = arith.constant dense<0.000000e+00> : vector<1024xf32>
    %reduce_sum3A_318 = vector.multi_reduction <add>, %select_n3A, %reduce_sum3A_317 [1] : vector<1024x8xf32> to vector<1024xf32>
    %broadcast_in_dim3A_319 = vector.shape_cast %reduce_sum3A_318 : vector<1024xf32> to vector<1024x1xf32>
    %add3A = arith.addf %broadcast_in_dim3A_310, %broadcast_in_dim3A_319 : vector<1024x1xf32>
    %jit3A_320 = arith.constant 0.000000e+00 : f32
    %broadcast_in_dim3A_321 = vector.broadcast %jit3A_320 : f32 to vector<1024x8xf32>
    %select_n3A_322 = arith.select %eq3A_315, %concatenate3A_308, %broadcast_in_dim3A_321 : vector<1024x8xi1>, vector<1024x8xf32>
    %reduce_sum3A_323 = arith.constant dense<0.000000e+00> : vector<1024xf32>
    %reduce_sum3A_324 = vector.multi_reduction <add>, %select_n3A_322, %reduce_sum3A_323 [1] : vector<1024x8xf32> to vector<1024xf32>
    %broadcast_in_dim3A_325 = vector.shape_cast %reduce_sum3A_324 : vector<1024xf32> to vector<1024x1xf32>
    %add3A_326 = arith.addf %broadcast_in_dim3A_312, %broadcast_in_dim3A_325 : vector<1024x1xf32>
    %jit3A_327 = arith.constant 0xFF800000 : f32
    %broadcast_in_dim3A_328 = vector.broadcast %jit3A_327 : f32 to vector<1024x8xf32>
    %select_n3A_329 = arith.select %eq3A_315, %broadcast_in_dim3A_328, %concatenate3A : vector<1024x8xi1>, vector<1024x8xf32>
    %argmax3A_330 = tpu.reduce_index %select_n3A_329 {axis = 1 : i32, kind = #tpu.reduction_kind<arg_max>} : vector<1024x8xf32> -> vector<1024xi32>
    %broadcast_in_dim3A_331 = vector.shape_cast %argmax3A_330 : vector<1024xi32> to vector<1024x1xi32>
    %eq3A_332 = vector.broadcast %broadcast_in_dim3A_331 : vector<1024x1xi32> to vector<1024x8xi32>
    %eq3A_333 = arith.cmpi eq, %iota3A, %eq3A_332 : vector<1024x8xi32>
    %jit3A_334 = arith.constant 0.000000e+00 : f32
    %broadcast_in_dim3A_335 = vector.broadcast %jit3A_334 : f32 to vector<1024x8xf32>
    %select_n3A_336 = arith.select %eq3A_333, %concatenate3A_307, %broadcast_in_dim3A_335 : vector<1024x8xi1>, vector<1024x8xf32>
    %reduce_sum3A_337 = arith.constant dense<0.000000e+00> : vector<1024xf32>
    %reduce_sum3A_338 = vector.multi_reduction <add>, %select_n3A_336, %reduce_sum3A_337 [1] : vector<1024x8xf32> to vector<1024xf32>
    %broadcast_in_dim3A_339 = vector.shape_cast %reduce_sum3A_338 : vector<1024xf32> to vector<1024x1xf32>
    %add3A_340 = arith.addf %add3A, %broadcast_in_dim3A_339 : vector<1024x1xf32>
    %jit3A_341 = arith.constant 0.000000e+00 : f32
    %broadcast_in_dim3A_342 = vector.broadcast %jit3A_341 : f32 to vector<1024x8xf32>
    %select_n3A_343 = arith.select %eq3A_333, %concatenate3A_308, %broadcast_in_dim3A_342 : vector<1024x8xi1>, vector<1024x8xf32>
    %reduce_sum3A_344 = arith.constant dense<0.000000e+00> : vector<1024xf32>
    %reduce_sum3A_345 = vector.multi_reduction <add>, %select_n3A_343, %reduce_sum3A_344 [1] : vector<1024x8xf32> to vector<1024xf32>
    %broadcast_in_dim3A_346 = vector.shape_cast %reduce_sum3A_345 : vector<1024xf32> to vector<1024x1xf32>
    %add3A_347 = arith.addf %add3A_326, %broadcast_in_dim3A_346 : vector<1024x1xf32>
    %jit3A_348 = arith.constant 0xFF800000 : f32
    %broadcast_in_dim3A_349 = vector.broadcast %jit3A_348 : f32 to vector<1024x8xf32>
    %select_n3A_350 = arith.select %eq3A_333, %broadcast_in_dim3A_349, %select_n3A_329 : vector<1024x8xi1>, vector<1024x8xf32>
    %argmax3A_351 = tpu.reduce_index %select_n3A_350 {axis = 1 : i32, kind = #tpu.reduction_kind<arg_max>} : vector<1024x8xf32> -> vector<1024xi32>
    %broadcast_in_dim3A_352 = vector.shape_cast %argmax3A_351 : vector<1024xi32> to vector<1024x1xi32>
    %eq3A_353 = vector.broadcast %broadcast_in_dim3A_352 : vector<1024x1xi32> to vector<1024x8xi32>
    %eq3A_354 = arith.cmpi eq, %iota3A, %eq3A_353 : vector<1024x8xi32>
    %jit3A_355 = arith.constant 0.000000e+00 : f32
    %broadcast_in_dim3A_356 = vector.broadcast %jit3A_355 : f32 to vector<1024x8xf32>
    %select_n3A_357 = arith.select %eq3A_354, %concatenate3A_307, %broadcast_in_dim3A_356 : vector<1024x8xi1>, vector<1024x8xf32>
    %reduce_sum3A_358 = arith.constant dense<0.000000e+00> : vector<1024xf32>
    %reduce_sum3A_359 = vector.multi_reduction <add>, %select_n3A_357, %reduce_sum3A_358 [1] : vector<1024x8xf32> to vector<1024xf32>
    %broadcast_in_dim3A_360 = vector.shape_cast %reduce_sum3A_359 : vector<1024xf32> to vector<1024x1xf32>
    %add3A_361 = arith.addf %add3A_340, %broadcast_in_dim3A_360 : vector<1024x1xf32>
    %jit3A_362 = arith.constant 0.000000e+00 : f32
    %broadcast_in_dim3A_363 = vector.broadcast %jit3A_362 : f32 to vector<1024x8xf32>
    %select_n3A_364 = arith.select %eq3A_354, %concatenate3A_308, %broadcast_in_dim3A_363 : vector<1024x8xi1>, vector<1024x8xf32>
    %reduce_sum3A_365 = arith.constant dense<0.000000e+00> : vector<1024xf32>
    %reduce_sum3A_366 = vector.multi_reduction <add>, %select_n3A_364, %reduce_sum3A_365 [1] : vector<1024x8xf32> to vector<1024xf32>
    %broadcast_in_dim3A_367 = vector.shape_cast %reduce_sum3A_366 : vector<1024xf32> to vector<1024x1xf32>
    %add3A_368 = arith.addf %add3A_347, %broadcast_in_dim3A_367 : vector<1024x1xf32>
    %jit3A_369 = arith.constant 0xFF800000 : f32
    %broadcast_in_dim3A_370 = vector.broadcast %jit3A_369 : f32 to vector<1024x8xf32>
    %select_n3A_371 = arith.select %eq3A_354, %broadcast_in_dim3A_370, %select_n3A_350 : vector<1024x8xi1>, vector<1024x8xf32>
    %argmax3A_372 = tpu.reduce_index %select_n3A_371 {axis = 1 : i32, kind = #tpu.reduction_kind<arg_max>} : vector<1024x8xf32> -> vector<1024xi32>
    %broadcast_in_dim3A_373 = vector.shape_cast %argmax3A_372 : vector<1024xi32> to vector<1024x1xi32>
    %eq3A_374 = vector.broadcast %broadcast_in_dim3A_373 : vector<1024x1xi32> to vector<1024x8xi32>
    %eq3A_375 = arith.cmpi eq, %iota3A, %eq3A_374 : vector<1024x8xi32>
    %jit3A_376 = arith.constant 0.000000e+00 : f32
    %broadcast_in_dim3A_377 = vector.broadcast %jit3A_376 : f32 to vector<1024x8xf32>
    %select_n3A_378 = arith.select %eq3A_375, %concatenate3A_307, %broadcast_in_dim3A_377 : vector<1024x8xi1>, vector<1024x8xf32>
    %reduce_sum3A_379 = arith.constant dense<0.000000e+00> : vector<1024xf32>
    %reduce_sum3A_380 = vector.multi_reduction <add>, %select_n3A_378, %reduce_sum3A_379 [1] : vector<1024x8xf32> to vector<1024xf32>
    %broadcast_in_dim3A_381 = vector.shape_cast %reduce_sum3A_380 : vector<1024xf32> to vector<1024x1xf32>
    %add3A_382 = arith.addf %add3A_361, %broadcast_in_dim3A_381 : vector<1024x1xf32>
    %jit3A_383 = arith.constant 0.000000e+00 : f32
    %broadcast_in_dim3A_384 = vector.broadcast %jit3A_383 : f32 to vector<1024x8xf32>
    %select_n3A_385 = arith.select %eq3A_375, %concatenate3A_308, %broadcast_in_dim3A_384 : vector<1024x8xi1>, vector<1024x8xf32>
    %reduce_sum3A_386 = arith.constant dense<0.000000e+00> : vector<1024xf32>
    %reduce_sum3A_387 = vector.multi_reduction <add>, %select_n3A_385, %reduce_sum3A_386 [1] : vector<1024x8xf32> to vector<1024xf32>
    %broadcast_in_dim3A_388 = vector.shape_cast %reduce_sum3A_387 : vector<1024xf32> to vector<1024x1xf32>
    %add3A_389 = arith.addf %add3A_368, %broadcast_in_dim3A_388 : vector<1024x1xf32>
    %jit3A_390 = arith.constant 0xFF800000 : f32
    %broadcast_in_dim3A_391 = vector.broadcast %jit3A_390 : f32 to vector<1024x8xf32>
    %select_n3A_392 = arith.select %eq3A_375, %broadcast_in_dim3A_391, %select_n3A_371 : vector<1024x8xi1>, vector<1024x8xf32>
    %argmax3A_393 = tpu.reduce_index %select_n3A_392 {axis = 1 : i32, kind = #tpu.reduction_kind<arg_max>} : vector<1024x8xf32> -> vector<1024xi32>
    %broadcast_in_dim3A_394 = vector.shape_cast %argmax3A_393 : vector<1024xi32> to vector<1024x1xi32>
    %eq3A_395 = vector.broadcast %broadcast_in_dim3A_394 : vector<1024x1xi32> to vector<1024x8xi32>
    %eq3A_396 = arith.cmpi eq, %iota3A, %eq3A_395 : vector<1024x8xi32>
    %jit3A_397 = arith.constant 0.000000e+00 : f32
    %broadcast_in_dim3A_398 = vector.broadcast %jit3A_397 : f32 to vector<1024x8xf32>
    %select_n3A_399 = arith.select %eq3A_396, %concatenate3A_307, %broadcast_in_dim3A_398 : vector<1024x8xi1>, vector<1024x8xf32>
    %reduce_sum3A_400 = arith.constant dense<0.000000e+00> : vector<1024xf32>
    %reduce_sum3A_401 = vector.multi_reduction <add>, %select_n3A_399, %reduce_sum3A_400 [1] : vector<1024x8xf32> to vector<1024xf32>
    %broadcast_in_dim3A_402 = vector.shape_cast %reduce_sum3A_401 : vector<1024xf32> to vector<1024x1xf32>
    %add3A_403 = arith.addf %add3A_382, %broadcast_in_dim3A_402 : vector<1024x1xf32>
    %jit3A_404 = arith.constant 0.000000e+00 : f32
    %broadcast_in_dim3A_405 = vector.broadcast %jit3A_404 : f32 to vector<1024x8xf32>
    %select_n3A_406 = arith.select %eq3A_396, %concatenate3A_308, %broadcast_in_dim3A_405 : vector<1024x8xi1>, vector<1024x8xf32>
    %reduce_sum3A_407 = arith.constant dense<0.000000e+00> : vector<1024xf32>
    %reduce_sum3A_408 = vector.multi_reduction <add>, %select_n3A_406, %reduce_sum3A_407 [1] : vector<1024x8xf32> to vector<1024xf32>
    %broadcast_in_dim3A_409 = vector.shape_cast %reduce_sum3A_408 : vector<1024xf32> to vector<1024x1xf32>
    %add3A_410 = arith.addf %add3A_389, %broadcast_in_dim3A_409 : vector<1024x1xf32>
    %reduce_sum3A_411 = vector.shape_cast %add3A_403 : vector<1024x1xf32> to vector<1x1024x1xf32>
    %reduce_sum3A_412 = arith.constant dense<0.000000e+00> : vector<1xf32>
    %reduce_sum3A_413 = vector.multi_reduction <add>, %reduce_sum3A_411, %reduce_sum3A_412 [1, 2] : vector<1x1024x1xf32> to vector<1xf32>
    %reduce_sum3A_414 = vector.shape_cast %reduce_sum3A_413 : vector<1xf32> to vector<1x1x1xf32>
    %reduce_sum3A_415 = vector.extract %reduce_sum3A_414[0, 0, 0] : f32 from vector<1x1x1xf32>
    %div3A_416 = arith.constant 5.120000e+03 : f32
    %div3A_417 = arith.divf %reduce_sum3A_415, %div3A_416 : f32
    %reshape3A = vector.broadcast %div3A_417 : f32 to vector<1x1xf32>
    %swap3A = arith.constant 0 : index
    %swap3A_418 = arith.constant 0 : index
    %swap3A_419 = vector.load %arg5[%swap3A, %swap3A_418] : memref<1x1xf32, #tpu.memory_space<vmem>>, vector<1x1xf32>
    tpu.vector_store %arg5[%swap3A, %swap3A_418], %reshape3A {strides = array<i32>} : memref<1x1xf32, #tpu.memory_space<vmem>>, vector<1x1xf32>,
    %reduce_sum3A_420 = vector.shape_cast %add3A_410 : vector<1024x1xf32> to vector<1x1024x1xf32>
    %reduce_sum3A_421 = arith.constant dense<0.000000e+00> : vector<1xf32>
    %reduce_sum3A_422 = vector.multi_reduction <add>, %reduce_sum3A_420, %reduce_sum3A_421 [1, 2] : vector<1x1024x1xf32> to vector<1xf32>
    %reduce_sum3A_423 = vector.shape_cast %reduce_sum3A_422 : vector<1xf32> to vector<1x1x1xf32>
    %reduce_sum3A_424 = vector.extract %reduce_sum3A_423[0, 0, 0] : f32 from vector<1x1x1xf32>
    %div3A_425 = arith.constant 5.120000e+03 : f32
    %div3A_426 = arith.divf %reduce_sum3A_424, %div3A_425 : f32
    %reshape3A_427 = vector.broadcast %div3A_426 : f32 to vector<1x1xf32>
    %swap3A_428 = arith.constant 0 : index
    %swap3A_429 = arith.constant 0 : index
    %swap3A_430 = vector.load %arg6[%swap3A_428, %swap3A_429] : memref<1x1xf32, #tpu.memory_space<vmem>>, vector<1x1xf32>
    tpu.vector_store %arg6[%swap3A_428, %swap3A_429], %reshape3A_427 {strides = array<i32>} : memref<1x1xf32, #tpu.memory_space<vmem>>, vector<1x1xf32>,
    return
  }
}

module attributes {stable_mosaic.version = 14 : i64} {
  func.func @_topk_body(%arg0: i32, %arg1: memref<1024x128xf32, #tpu.memory_space<vmem>>, %arg2: memref<5120x128xf32, #tpu.memory_space<vmem>>, %arg3: memref<1024x8xi32, #tpu.memory_space<vmem>>, %arg4: memref<1024x128xf32, #tpu.memory_space<vmem>>, %arg5: memref<1024x512xf32, #tpu.memory_space<vmem>>) attributes {dimension_semantics = [#tpu.dimension_semantics<arbitrary>], iteration_bounds = array<i64: 25>, scalar_prefetch = 0 : i64, scratch_operands = 2 : i64, tpu.core_type = #tpu.core_type<tc>, window_params = [{pipeline_mode = #tpu.pipeline_mode<synchronous>, transform_indices = @transform_0, window_bounds = array<i64: 1024, 128>}, {transform_indices = @transform_1, window_bounds = array<i64: 5120, 128>}, {pipeline_mode = #tpu.pipeline_mode<synchronous>, transform_indices = @transform_2, window_bounds = array<i64: 1024, 8>}]} {
    %eq3A = arith.constant 0 : i32
    %eq3A_0 = arith.cmpi eq, %arg0, %eq3A : i32
    %convert_element_type3A = arith.extui %eq3A_0 : i1 to i32
    %cond3A = arith.constant 0 : i32
    %cond3A_1 = arith.cmpi ne, %convert_element_type3A, %cond3A : i32
    scf.if %cond3A_1 {
      %get3A_210 = arith.constant 0 : index
      %get3A_211 = arith.constant 0 : index
      %get3A_212 = vector.load %arg1[%get3A_210, %get3A_211] : memref<1024x128xf32, #tpu.memory_space<vmem>>, vector<1024x128xf32>
      %mul3A_213 = arith.mulf %get3A_212, %get3A_212 : vector<1024x128xf32>
      %reduce_sum3A_214 = arith.constant dense<0.000000e+00> : vector<1024xf32>
      %reduce_sum3A_215 = vector.multi_reduction <add>, %mul3A_213, %reduce_sum3A_214 [1] : vector<1024x128xf32> to vector<1024xf32>
      %broadcast_in_dim3A_216 = vector.shape_cast %reduce_sum3A_215 : vector<1024xf32> to vector<1024x1xf32>
      %sqrt3A_217 = math.sqrt %broadcast_in_dim3A_216 : vector<1024x1xf32>
      %max3A_218 = arith.constant 9.99999996E-13 : f32
      %max3A_219 = vector.broadcast %max3A_218 : f32 to vector<1024x1xf32>
      %max3A_220 = arith.maximumf %sqrt3A_217, %max3A_219 : vector<1024x1xf32>
      %div3A_221 = vector.broadcast %max3A_220 : vector<1024x1xf32> to vector<1024x128xf32>
      %div3A_222 = arith.divf %get3A_212, %div3A_221 : vector<1024x128xf32>
      %mul3A_223 = arith.constant 4.095000e+03 : f32
      %mul3A_224 = vector.broadcast %mul3A_223 : f32 to vector<1024x128xf32>
      %mul3A_225 = arith.mulf %div3A_222, %mul3A_224 : vector<1024x128xf32>
      %swap3A_226 = arith.constant 0 : index
      %swap3A_227 = arith.constant 0 : index
      %swap3A_228 = vector.load %arg4[%swap3A_226, %swap3A_227] : memref<1024x128xf32, #tpu.memory_space<vmem>>, vector<1024x128xf32>
      tpu.vector_store %arg4[%swap3A_226, %swap3A_227], %mul3A_225 {strides = array<i32>} : memref<1024x128xf32, #tpu.memory_space<vmem>>, vector<1024x128xf32>,
      %broadcast_in_dim3A_229 = arith.constant 0.000000e+00 : f32
      %broadcast_in_dim3A_230 = vector.broadcast %broadcast_in_dim3A_229 : f32 to vector<1024x512xf32>
      %swap3A_231 = arith.constant 0 : index
      %swap3A_232 = arith.constant 0 : index
      %swap3A_233 = vector.load %arg5[%swap3A_231, %swap3A_232] : memref<1024x512xf32, #tpu.memory_space<vmem>>, vector<1024x512xf32>
      tpu.vector_store %arg5[%swap3A_231, %swap3A_232], %broadcast_in_dim3A_230 {strides = array<i32>} : memref<1024x512xf32, #tpu.memory_space<vmem>>, vector<1024x512xf32>,
    } else {
    }
    %get3A = arith.constant 0 : index
    %get3A_2 = arith.constant 0 : index
    %get3A_3 = vector.load %arg2[%get3A, %get3A_2] : memref<5120x128xf32, #tpu.memory_space<vmem>>, vector<5120x128xf32>
    %mul3A = arith.mulf %get3A_3, %get3A_3 : vector<5120x128xf32>
    %reduce_sum3A = arith.constant dense<0.000000e+00> : vector<5120xf32>
    %reduce_sum3A_4 = vector.multi_reduction <add>, %mul3A, %reduce_sum3A [1] : vector<5120x128xf32> to vector<5120xf32>
    %broadcast_in_dim3A = vector.shape_cast %reduce_sum3A_4 : vector<5120xf32> to vector<5120x1xf32>
    %sqrt3A = math.sqrt %broadcast_in_dim3A : vector<5120x1xf32>
    %max3A = arith.constant 9.99999996E-13 : f32
    %max3A_5 = vector.broadcast %max3A : f32 to vector<5120x1xf32>
    %max3A_6 = arith.maximumf %sqrt3A, %max3A_5 : vector<5120x1xf32>
    %div3A = vector.broadcast %max3A_6 : vector<5120x1xf32> to vector<5120x128xf32>
    %div3A_7 = arith.divf %get3A_3, %div3A : vector<5120x128xf32>
    %get3A_8 = arith.constant 0 : index
    %get3A_9 = arith.constant 0 : index
    %get3A_10 = vector.load %arg4[%get3A_8, %get3A_9] : memref<1024x128xf32, #tpu.memory_space<vmem>>, vector<1024x128xf32>
    %dot_general3A = arith.constant dense<0.000000e+00> : vector<1024x5120xf32>
    %dot_general3A_11 = tpu.matmul %get3A_10, %div3A_7, %dot_general3A {dimension_numbers = #tpu.dot_dimension_numbers<[1], [1], [0], [0], [0, 0, 1, 0], [], []>, transpose_lhs_hint = false} : vector<1024x128xf32>, vector<5120x128xf32>, vector<1024x5120xf32> -> vector<1024x5120xf32>
    %add3A = arith.constant 0x4B400000 : f32
    %add3A_12 = vector.broadcast %add3A : f32 to vector<1024x5120xf32>
    %add3A_13 = arith.addf %dot_general3A_11, %add3A_12 : vector<1024x5120xf32>
    %bitcast_convert_type3A = tpu.bitcast %add3A_13 : vector<1024x5120xf32> -> vector<1024x5120xi32>
    %iota3A = tpu.iota {dimensions = array<i32: 1>} : vector<1024x5120xi32>
    %mul3A_14 = arith.constant 5120 : i32
    %mul3A_15 = arith.muli %arg0, %mul3A_14 : i32
    %add3A_16 = arith.constant 1602224128 : i32
    %add3A_17 = arith.addi %add3A_16, %mul3A_15 : i32
    %add3A_18 = vector.broadcast %add3A_17 : i32 to vector<1024x5120xi32>
    %add3A_19 = arith.addi %iota3A, %add3A_18 : vector<1024x5120xi32>
    %shift_left3A = arith.constant 17 : i32
    %shift_left3A_20 = vector.broadcast %shift_left3A : i32 to vector<1024x5120xi32>
    %shift_left3A_21 = arith.shli %bitcast_convert_type3A, %shift_left3A_20 : vector<1024x5120xi32>
    %add3A_22 = arith.addi %shift_left3A_21, %add3A_19 : vector<1024x5120xi32>
    %bitcast_convert_type3A_23 = tpu.bitcast %add3A_22 : vector<1024x5120xi32> -> vector<1024x5120xf32>
    %get3A_24 = arith.constant 0 : index
    %get3A_25 = arith.constant 0 : index
    %get3A_26 = vector.load %arg5[%get3A_24, %get3A_25] : memref<1024x512xf32, #tpu.memory_space<vmem>>, vector<1024x128xf32>
    %get3A_27 = arith.constant 0 : index
    %get3A_28 = arith.constant 128 : index
    %get3A_29 = vector.load %arg5[%get3A_27, %get3A_28] : memref<1024x512xf32, #tpu.memory_space<vmem>>, vector<1024x128xf32>
    %get3A_30 = arith.constant 0 : index
    %get3A_31 = arith.constant 256 : index
    %get3A_32 = vector.load %arg5[%get3A_30, %get3A_31] : memref<1024x512xf32, #tpu.memory_space<vmem>>, vector<1024x128xf32>
    %get3A_33 = arith.constant 0 : index
    %get3A_34 = arith.constant 384 : index
    %get3A_35 = vector.load %arg5[%get3A_33, %get3A_34] : memref<1024x512xf32, #tpu.memory_space<vmem>>, vector<1024x128xf32>
    %slice3A = vector.extract_strided_slice %bitcast_convert_type3A_23 {offsets = [0, 0], sizes = [1024, 128], strides = [1, 1]} : vector<1024x5120xf32> to vector<1024x128xf32>
    %max3A_36 = arith.maximumf %get3A_26, %slice3A : vector<1024x128xf32>
    %min3A = arith.minimumf %get3A_26, %slice3A : vector<1024x128xf32>
    %max3A_37 = arith.maximumf %get3A_29, %min3A : vector<1024x128xf32>
    %slice3A_38 = vector.extract_strided_slice %bitcast_convert_type3A_23 {offsets = [0, 128], sizes = [1024, 128], strides = [1, 1]} : vector<1024x5120xf32> to vector<1024x128xf32>
    %max3A_39 = arith.maximumf %get3A_32, %slice3A_38 : vector<1024x128xf32>
    %min3A_40 = arith.minimumf %get3A_32, %slice3A_38 : vector<1024x128xf32>
    %max3A_41 = arith.maximumf %get3A_35, %min3A_40 : vector<1024x128xf32>
    %slice3A_42 = vector.extract_strided_slice %bitcast_convert_type3A_23 {offsets = [0, 256], sizes = [1024, 128], strides = [1, 1]} : vector<1024x5120xf32> to vector<1024x128xf32>
    %max3A_43 = arith.maximumf %max3A_36, %slice3A_42 : vector<1024x128xf32>
    %min3A_44 = arith.minimumf %max3A_36, %slice3A_42 : vector<1024x128xf32>
    %max3A_45 = arith.maximumf %max3A_37, %min3A_44 : vector<1024x128xf32>
    %slice3A_46 = vector.extract_strided_slice %bitcast_convert_type3A_23 {offsets = [0, 384], sizes = [1024, 128], strides = [1, 1]} : vector<1024x5120xf32> to vector<1024x128xf32>
    %max3A_47 = arith.maximumf %max3A_39, %slice3A_46 : vector<1024x128xf32>
    %min3A_48 = arith.minimumf %max3A_39, %slice3A_46 : vector<1024x128xf32>
    %max3A_49 = arith.maximumf %max3A_41, %min3A_48 : vector<1024x128xf32>
    %slice3A_50 = vector.extract_strided_slice %bitcast_convert_type3A_23 {offsets = [0, 512], sizes = [1024, 128], strides = [1, 1]} : vector<1024x5120xf32> to vector<1024x128xf32>
    %max3A_51 = arith.maximumf %max3A_43, %slice3A_50 : vector<1024x128xf32>
    %min3A_52 = arith.minimumf %max3A_43, %slice3A_50 : vector<1024x128xf32>
    %max3A_53 = arith.maximumf %max3A_45, %min3A_52 : vector<1024x128xf32>
    %slice3A_54 = vector.extract_strided_slice %bitcast_convert_type3A_23 {offsets = [0, 640], sizes = [1024, 128], strides = [1, 1]} : vector<1024x5120xf32> to vector<1024x128xf32>
    %max3A_55 = arith.maximumf %max3A_47, %slice3A_54 : vector<1024x128xf32>
    %min3A_56 = arith.minimumf %max3A_47, %slice3A_54 : vector<1024x128xf32>
    %max3A_57 = arith.maximumf %max3A_49, %min3A_56 : vector<1024x128xf32>
    %slice3A_58 = vector.extract_strided_slice %bitcast_convert_type3A_23 {offsets = [0, 768], sizes = [1024, 128], strides = [1, 1]} : vector<1024x5120xf32> to vector<1024x128xf32>
    %max3A_59 = arith.maximumf %max3A_51, %slice3A_58 : vector<1024x128xf32>
    %min3A_60 = arith.minimumf %max3A_51, %slice3A_58 : vector<1024x128xf32>
    %max3A_61 = arith.maximumf %max3A_53, %min3A_60 : vector<1024x128xf32>
    %slice3A_62 = vector.extract_strided_slice %bitcast_convert_type3A_23 {offsets = [0, 896], sizes = [1024, 128], strides = [1, 1]} : vector<1024x5120xf32> to vector<1024x128xf32>
    %max3A_63 = arith.maximumf %max3A_55, %slice3A_62 : vector<1024x128xf32>
    %min3A_64 = arith.minimumf %max3A_55, %slice3A_62 : vector<1024x128xf32>
    %max3A_65 = arith.maximumf %max3A_57, %min3A_64 : vector<1024x128xf32>
    %slice3A_66 = vector.extract_strided_slice %bitcast_convert_type3A_23 {offsets = [0, 1024], sizes = [1024, 128], strides = [1, 1]} : vector<1024x5120xf32> to vector<1024x128xf32>
    %max3A_67 = arith.maximumf %max3A_59, %slice3A_66 : vector<1024x128xf32>
    %min3A_68 = arith.minimumf %max3A_59, %slice3A_66 : vector<1024x128xf32>
    %max3A_69 = arith.maximumf %max3A_61, %min3A_68 : vector<1024x128xf32>
    %slice3A_70 = vector.extract_strided_slice %bitcast_convert_type3A_23 {offsets = [0, 1152], sizes = [1024, 128], strides = [1, 1]} : vector<1024x5120xf32> to vector<1024x128xf32>
    %max3A_71 = arith.maximumf %max3A_63, %slice3A_70 : vector<1024x128xf32>
    %min3A_72 = arith.minimumf %max3A_63, %slice3A_70 : vector<1024x128xf32>
    %max3A_73 = arith.maximumf %max3A_65, %min3A_72 : vector<1024x128xf32>
    %slice3A_74 = vector.extract_strided_slice %bitcast_convert_type3A_23 {offsets = [0, 1280], sizes = [1024, 128], strides = [1, 1]} : vector<1024x5120xf32> to vector<1024x128xf32>
    %max3A_75 = arith.maximumf %max3A_67, %slice3A_74 : vector<1024x128xf32>
    %min3A_76 = arith.minimumf %max3A_67, %slice3A_74 : vector<1024x128xf32>
    %max3A_77 = arith.maximumf %max3A_69, %min3A_76 : vector<1024x128xf32>
    %slice3A_78 = vector.extract_strided_slice %bitcast_convert_type3A_23 {offsets = [0, 1408], sizes = [1024, 128], strides = [1, 1]} : vector<1024x5120xf32> to vector<1024x128xf32>
    %max3A_79 = arith.maximumf %max3A_71, %slice3A_78 : vector<1024x128xf32>
    %min3A_80 = arith.minimumf %max3A_71, %slice3A_78 : vector<1024x128xf32>
    %max3A_81 = arith.maximumf %max3A_73, %min3A_80 : vector<1024x128xf32>
    %slice3A_82 = vector.extract_strided_slice %bitcast_convert_type3A_23 {offsets = [0, 1536], sizes = [1024, 128], strides = [1, 1]} : vector<1024x5120xf32> to vector<1024x128xf32>
    %max3A_83 = arith.maximumf %max3A_75, %slice3A_82 : vector<1024x128xf32>
    %min3A_84 = arith.minimumf %max3A_75, %slice3A_82 : vector<1024x128xf32>
    %max3A_85 = arith.maximumf %max3A_77, %min3A_84 : vector<1024x128xf32>
    %slice3A_86 = vector.extract_strided_slice %bitcast_convert_type3A_23 {offsets = [0, 1664], sizes = [1024, 128], strides = [1, 1]} : vector<1024x5120xf32> to vector<1024x128xf32>
    %max3A_87 = arith.maximumf %max3A_79, %slice3A_86 : vector<1024x128xf32>
    %min3A_88 = arith.minimumf %max3A_79, %slice3A_86 : vector<1024x128xf32>
    %max3A_89 = arith.maximumf %max3A_81, %min3A_88 : vector<1024x128xf32>
    %slice3A_90 = vector.extract_strided_slice %bitcast_convert_type3A_23 {offsets = [0, 1792], sizes = [1024, 128], strides = [1, 1]} : vector<1024x5120xf32> to vector<1024x128xf32>
    %max3A_91 = arith.maximumf %max3A_83, %slice3A_90 : vector<1024x128xf32>
    %min3A_92 = arith.minimumf %max3A_83, %slice3A_90 : vector<1024x128xf32>
    %max3A_93 = arith.maximumf %max3A_85, %min3A_92 : vector<1024x128xf32>
    %slice3A_94 = vector.extract_strided_slice %bitcast_convert_type3A_23 {offsets = [0, 1920], sizes = [1024, 128], strides = [1, 1]} : vector<1024x5120xf32> to vector<1024x128xf32>
    %max3A_95 = arith.maximumf %max3A_87, %slice3A_94 : vector<1024x128xf32>
    %min3A_96 = arith.minimumf %max3A_87, %slice3A_94 : vector<1024x128xf32>
    %max3A_97 = arith.maximumf %max3A_89, %min3A_96 : vector<1024x128xf32>
    %slice3A_98 = vector.extract_strided_slice %bitcast_convert_type3A_23 {offsets = [0, 2048], sizes = [1024, 128], strides = [1, 1]} : vector<1024x5120xf32> to vector<1024x128xf32>
    %max3A_99 = arith.maximumf %max3A_91, %slice3A_98 : vector<1024x128xf32>
    %min3A_100 = arith.minimumf %max3A_91, %slice3A_98 : vector<1024x128xf32>
    %max3A_101 = arith.maximumf %max3A_93, %min3A_100 : vector<1024x128xf32>
    %slice3A_102 = vector.extract_strided_slice %bitcast_convert_type3A_23 {offsets = [0, 2176], sizes = [1024, 128], strides = [1, 1]} : vector<1024x5120xf32> to vector<1024x128xf32>
    %max3A_103 = arith.maximumf %max3A_95, %slice3A_102 : vector<1024x128xf32>
    %min3A_104 = arith.minimumf %max3A_95, %slice3A_102 : vector<1024x128xf32>
    %max3A_105 = arith.maximumf %max3A_97, %min3A_104 : vector<1024x128xf32>
    %slice3A_106 = vector.extract_strided_slice %bitcast_convert_type3A_23 {offsets = [0, 2304], sizes = [1024, 128], strides = [1, 1]} : vector<1024x5120xf32> to vector<1024x128xf32>
    %max3A_107 = arith.maximumf %max3A_99, %slice3A_106 : vector<1024x128xf32>
    %min3A_108 = arith.minimumf %max3A_99, %slice3A_106 : vector<1024x128xf32>
    %max3A_109 = arith.maximumf %max3A_101, %min3A_108 : vector<1024x128xf32>
    %slice3A_110 = vector.extract_strided_slice %bitcast_convert_type3A_23 {offsets = [0, 2432], sizes = [1024, 128], strides = [1, 1]} : vector<1024x5120xf32> to vector<1024x128xf32>
    %max3A_111 = arith.maximumf %max3A_103, %slice3A_110 : vector<1024x128xf32>
    %min3A_112 = arith.minimumf %max3A_103, %slice3A_110 : vector<1024x128xf32>
    %max3A_113 = arith.maximumf %max3A_105, %min3A_112 : vector<1024x128xf32>
    %slice3A_114 = vector.extract_strided_slice %bitcast_convert_type3A_23 {offsets = [0, 2560], sizes = [1024, 128], strides = [1, 1]} : vector<1024x5120xf32> to vector<1024x128xf32>
    %max3A_115 = arith.maximumf %max3A_107, %slice3A_114 : vector<1024x128xf32>
    %min3A_116 = arith.minimumf %max3A_107, %slice3A_114 : vector<1024x128xf32>
    %max3A_117 = arith.maximumf %max3A_109, %min3A_116 : vector<1024x128xf32>
    %slice3A_118 = vector.extract_strided_slice %bitcast_convert_type3A_23 {offsets = [0, 2688], sizes = [1024, 128], strides = [1, 1]} : vector<1024x5120xf32> to vector<1024x128xf32>
    %max3A_119 = arith.maximumf %max3A_111, %slice3A_118 : vector<1024x128xf32>
    %min3A_120 = arith.minimumf %max3A_111, %slice3A_118 : vector<1024x128xf32>
    %max3A_121 = arith.maximumf %max3A_113, %min3A_120 : vector<1024x128xf32>
    %slice3A_122 = vector.extract_strided_slice %bitcast_convert_type3A_23 {offsets = [0, 2816], sizes = [1024, 128], strides = [1, 1]} : vector<1024x5120xf32> to vector<1024x128xf32>
    %max3A_123 = arith.maximumf %max3A_115, %slice3A_122 : vector<1024x128xf32>
    %min3A_124 = arith.minimumf %max3A_115, %slice3A_122 : vector<1024x128xf32>
    %max3A_125 = arith.maximumf %max3A_117, %min3A_124 : vector<1024x128xf32>
    %slice3A_126 = vector.extract_strided_slice %bitcast_convert_type3A_23 {offsets = [0, 2944], sizes = [1024, 128], strides = [1, 1]} : vector<1024x5120xf32> to vector<1024x128xf32>
    %max3A_127 = arith.maximumf %max3A_119, %slice3A_126 : vector<1024x128xf32>
    %min3A_128 = arith.minimumf %max3A_119, %slice3A_126 : vector<1024x128xf32>
    %max3A_129 = arith.maximumf %max3A_121, %min3A_128 : vector<1024x128xf32>
    %slice3A_130 = vector.extract_strided_slice %bitcast_convert_type3A_23 {offsets = [0, 3072], sizes = [1024, 128], strides = [1, 1]} : vector<1024x5120xf32> to vector<1024x128xf32>
    %max3A_131 = arith.maximumf %max3A_123, %slice3A_130 : vector<1024x128xf32>
    %min3A_132 = arith.minimumf %max3A_123, %slice3A_130 : vector<1024x128xf32>
    %max3A_133 = arith.maximumf %max3A_125, %min3A_132 : vector<1024x128xf32>
    %slice3A_134 = vector.extract_strided_slice %bitcast_convert_type3A_23 {offsets = [0, 3200], sizes = [1024, 128], strides = [1, 1]} : vector<1024x5120xf32> to vector<1024x128xf32>
    %max3A_135 = arith.maximumf %max3A_127, %slice3A_134 : vector<1024x128xf32>
    %min3A_136 = arith.minimumf %max3A_127, %slice3A_134 : vector<1024x128xf32>
    %max3A_137 = arith.maximumf %max3A_129, %min3A_136 : vector<1024x128xf32>
    %slice3A_138 = vector.extract_strided_slice %bitcast_convert_type3A_23 {offsets = [0, 3328], sizes = [1024, 128], strides = [1, 1]} : vector<1024x5120xf32> to vector<1024x128xf32>
    %max3A_139 = arith.maximumf %max3A_131, %slice3A_138 : vector<1024x128xf32>
    %min3A_140 = arith.minimumf %max3A_131, %slice3A_138 : vector<1024x128xf32>
    %max3A_141 = arith.maximumf %max3A_133, %min3A_140 : vector<1024x128xf32>
    %slice3A_142 = vector.extract_strided_slice %bitcast_convert_type3A_23 {offsets = [0, 3456], sizes = [1024, 128], strides = [1, 1]} : vector<1024x5120xf32> to vector<1024x128xf32>
    %max3A_143 = arith.maximumf %max3A_135, %slice3A_142 : vector<1024x128xf32>
    %min3A_144 = arith.minimumf %max3A_135, %slice3A_142 : vector<1024x128xf32>
    %max3A_145 = arith.maximumf %max3A_137, %min3A_144 : vector<1024x128xf32>
    %slice3A_146 = vector.extract_strided_slice %bitcast_convert_type3A_23 {offsets = [0, 3584], sizes = [1024, 128], strides = [1, 1]} : vector<1024x5120xf32> to vector<1024x128xf32>
    %max3A_147 = arith.maximumf %max3A_139, %slice3A_146 : vector<1024x128xf32>
    %min3A_148 = arith.minimumf %max3A_139, %slice3A_146 : vector<1024x128xf32>
    %max3A_149 = arith.maximumf %max3A_141, %min3A_148 : vector<1024x128xf32>
    %slice3A_150 = vector.extract_strided_slice %bitcast_convert_type3A_23 {offsets = [0, 3712], sizes = [1024, 128], strides = [1, 1]} : vector<1024x5120xf32> to vector<1024x128xf32>
    %max3A_151 = arith.maximumf %max3A_143, %slice3A_150 : vector<1024x128xf32>
    %min3A_152 = arith.minimumf %max3A_143, %slice3A_150 : vector<1024x128xf32>
    %max3A_153 = arith.maximumf %max3A_145, %min3A_152 : vector<1024x128xf32>
    %slice3A_154 = vector.extract_strided_slice %bitcast_convert_type3A_23 {offsets = [0, 3840], sizes = [1024, 128], strides = [1, 1]} : vector<1024x5120xf32> to vector<1024x128xf32>
    %max3A_155 = arith.maximumf %max3A_147, %slice3A_154 : vector<1024x128xf32>
    %min3A_156 = arith.minimumf %max3A_147, %slice3A_154 : vector<1024x128xf32>
    %max3A_157 = arith.maximumf %max3A_149, %min3A_156 : vector<1024x128xf32>
    %slice3A_158 = vector.extract_strided_slice %bitcast_convert_type3A_23 {offsets = [0, 3968], sizes = [1024, 128], strides = [1, 1]} : vector<1024x5120xf32> to vector<1024x128xf32>
    %max3A_159 = arith.maximumf %max3A_151, %slice3A_158 : vector<1024x128xf32>
    %min3A_160 = arith.minimumf %max3A_151, %slice3A_158 : vector<1024x128xf32>
    %max3A_161 = arith.maximumf %max3A_153, %min3A_160 : vector<1024x128xf32>
    %slice3A_162 = vector.extract_strided_slice %bitcast_convert_type3A_23 {offsets = [0, 4096], sizes = [1024, 128], strides = [1, 1]} : vector<1024x5120xf32> to vector<1024x128xf32>
    %max3A_163 = arith.maximumf %max3A_155, %slice3A_162 : vector<1024x128xf32>
    %min3A_164 = arith.minimumf %max3A_155, %slice3A_162 : vector<1024x128xf32>
    %max3A_165 = arith.maximumf %max3A_157, %min3A_164 : vector<1024x128xf32>
    %slice3A_166 = vector.extract_strided_slice %bitcast_convert_type3A_23 {offsets = [0, 4224], sizes = [1024, 128], strides = [1, 1]} : vector<1024x5120xf32> to vector<1024x128xf32>
    %max3A_167 = arith.maximumf %max3A_159, %slice3A_166 : vector<1024x128xf32>
    %min3A_168 = arith.minimumf %max3A_159, %slice3A_166 : vector<1024x128xf32>
    %max3A_169 = arith.maximumf %max3A_161, %min3A_168 : vector<1024x128xf32>
    %slice3A_170 = vector.extract_strided_slice %bitcast_convert_type3A_23 {offsets = [0, 4352], sizes = [1024, 128], strides = [1, 1]} : vector<1024x5120xf32> to vector<1024x128xf32>
    %max3A_171 = arith.maximumf %max3A_163, %slice3A_170 : vector<1024x128xf32>
    %min3A_172 = arith.minimumf %max3A_163, %slice3A_170 : vector<1024x128xf32>
    %max3A_173 = arith.maximumf %max3A_165, %min3A_172 : vector<1024x128xf32>
    %slice3A_174 = vector.extract_strided_slice %bitcast_convert_type3A_23 {offsets = [0, 4480], sizes = [1024, 128], strides = [1, 1]} : vector<1024x5120xf32> to vector<1024x128xf32>
    %max3A_175 = arith.maximumf %max3A_167, %slice3A_174 : vector<1024x128xf32>
    %min3A_176 = arith.minimumf %max3A_167, %slice3A_174 : vector<1024x128xf32>
    %max3A_177 = arith.maximumf %max3A_169, %min3A_176 : vector<1024x128xf32>
    %slice3A_178 = vector.extract_strided_slice %bitcast_convert_type3A_23 {offsets = [0, 4608], sizes = [1024, 128], strides = [1, 1]} : vector<1024x5120xf32> to vector<1024x128xf32>
    %max3A_179 = arith.maximumf %max3A_171, %slice3A_178 : vector<1024x128xf32>
    %min3A_180 = arith.minimumf %max3A_171, %slice3A_178 : vector<1024x128xf32>
    %max3A_181 = arith.maximumf %max3A_173, %min3A_180 : vector<1024x128xf32>
    %slice3A_182 = vector.extract_strided_slice %bitcast_convert_type3A_23 {offsets = [0, 4736], sizes = [1024, 128], strides = [1, 1]} : vector<1024x5120xf32> to vector<1024x128xf32>
    %max3A_183 = arith.maximumf %max3A_175, %slice3A_182 : vector<1024x128xf32>
    %min3A_184 = arith.minimumf %max3A_175, %slice3A_182 : vector<1024x128xf32>
    %max3A_185 = arith.maximumf %max3A_177, %min3A_184 : vector<1024x128xf32>
    %slice3A_186 = vector.extract_strided_slice %bitcast_convert_type3A_23 {offsets = [0, 4864], sizes = [1024, 128], strides = [1, 1]} : vector<1024x5120xf32> to vector<1024x128xf32>
    %max3A_187 = arith.maximumf %max3A_179, %slice3A_186 : vector<1024x128xf32>
    %min3A_188 = arith.minimumf %max3A_179, %slice3A_186 : vector<1024x128xf32>
    %max3A_189 = arith.maximumf %max3A_181, %min3A_188 : vector<1024x128xf32>
    %slice3A_190 = vector.extract_strided_slice %bitcast_convert_type3A_23 {offsets = [0, 4992], sizes = [1024, 128], strides = [1, 1]} : vector<1024x5120xf32> to vector<1024x128xf32>
    %max3A_191 = arith.maximumf %max3A_183, %slice3A_190 : vector<1024x128xf32>
    %min3A_192 = arith.minimumf %max3A_183, %slice3A_190 : vector<1024x128xf32>
    %max3A_193 = arith.maximumf %max3A_185, %min3A_192 : vector<1024x128xf32>
    %swap3A = arith.constant 0 : index
    %swap3A_194 = arith.constant 0 : index
    %swap3A_195 = vector.load %arg5[%swap3A, %swap3A_194] : memref<1024x512xf32, #tpu.memory_space<vmem>>, vector<1024x128xf32>
    tpu.vector_store %arg5[%swap3A, %swap3A_194], %max3A_187 {strides = array<i32>} : memref<1024x512xf32, #tpu.memory_space<vmem>>, vector<1024x128xf32>,
    %swap3A_196 = arith.constant 0 : index
    %swap3A_197 = arith.constant 128 : index
    %swap3A_198 = vector.load %arg5[%swap3A_196, %swap3A_197] : memref<1024x512xf32, #tpu.memory_space<vmem>>, vector<1024x128xf32>
    tpu.vector_store %arg5[%swap3A_196, %swap3A_197], %max3A_189 {strides = array<i32>} : memref<1024x512xf32, #tpu.memory_space<vmem>>, vector<1024x128xf32>,
    %swap3A_199 = arith.constant 0 : index
    %swap3A_200 = arith.constant 256 : index
    %swap3A_201 = vector.load %arg5[%swap3A_199, %swap3A_200] : memref<1024x512xf32, #tpu.memory_space<vmem>>, vector<1024x128xf32>
    tpu.vector_store %arg5[%swap3A_199, %swap3A_200], %max3A_191 {strides = array<i32>} : memref<1024x512xf32, #tpu.memory_space<vmem>>, vector<1024x128xf32>,
    %swap3A_202 = arith.constant 0 : index
    %swap3A_203 = arith.constant 384 : index
    %swap3A_204 = vector.load %arg5[%swap3A_202, %swap3A_203] : memref<1024x512xf32, #tpu.memory_space<vmem>>, vector<1024x128xf32>
    tpu.vector_store %arg5[%swap3A_202, %swap3A_203], %max3A_193 {strides = array<i32>} : memref<1024x512xf32, #tpu.memory_space<vmem>>, vector<1024x128xf32>,
    %eq3A_205 = arith.constant 24 : i32
    %eq3A_206 = arith.cmpi eq, %arg0, %eq3A_205 : i32
    %convert_element_type3A_207 = arith.extui %eq3A_206 : i1 to i32
    %cond3A_208 = arith.constant 0 : i32
    %cond3A_209 = arith.cmpi ne, %convert_element_type3A_207, %cond3A_208 : i32
    scf.if %cond3A_209 {
      %get3A_210 = arith.constant 0 : index
      %get3A_211 = arith.constant 0 : index
      %get3A_212 = vector.load %arg5[%get3A_210, %get3A_211] : memref<1024x512xf32, #tpu.memory_space<vmem>>, vector<1024x128xf32>
      %get3A_213 = arith.constant 0 : index
      %get3A_214 = arith.constant 128 : index
      %get3A_215 = vector.load %arg5[%get3A_213, %get3A_214] : memref<1024x512xf32, #tpu.memory_space<vmem>>, vector<1024x128xf32>
      %get3A_216 = arith.constant 0 : index
      %get3A_217 = arith.constant 256 : index
      %get3A_218 = vector.load %arg5[%get3A_216, %get3A_217] : memref<1024x512xf32, #tpu.memory_space<vmem>>, vector<1024x128xf32>
      %get3A_219 = arith.constant 0 : index
      %get3A_220 = arith.constant 384 : index
      %get3A_221 = vector.load %arg5[%get3A_219, %get3A_220] : memref<1024x512xf32, #tpu.memory_space<vmem>>, vector<1024x128xf32>
      %max3A_222 = arith.maximumf %get3A_212, %get3A_218 : vector<1024x128xf32>
      %reduce_max3A = arith.constant dense<0xFF800000> : vector<1024xf32>
      %reduce_max3A_223 = vector.multi_reduction <maximumf>, %max3A_222, %reduce_max3A [1] : vector<1024x128xf32> to vector<1024xf32>
      %broadcast_in_dim3A_224 = vector.shape_cast %reduce_max3A_223 : vector<1024xf32> to vector<1024x1xf32>
      %bitcast_convert_type3A_225 = tpu.bitcast %broadcast_in_dim3A_224 : vector<1024x1xf32> -> vector<1024x1xi32>
      %and3A = arith.constant 131071 : i32
      %and3A_226 = vector.broadcast %and3A : i32 to vector<1024x1xi32>
      %and3A_227 = arith.andi %bitcast_convert_type3A_225, %and3A_226 : vector<1024x1xi32>
      %eq3A_228 = vector.broadcast %broadcast_in_dim3A_224 : vector<1024x1xf32> to vector<1024x128xf32>
      %eq3A_229 = arith.cmpf oeq, %get3A_212, %eq3A_228 : vector<1024x128xf32>
      %select_n3A = arith.select %eq3A_229, %get3A_215, %get3A_212 : vector<1024x128xi1>, vector<1024x128xf32>
      %jit3A = arith.constant 0.000000e+00 : f32
      %broadcast_in_dim3A_230 = vector.broadcast %jit3A : f32 to vector<1024x128xf32>
      %select_n3A_231 = arith.select %eq3A_229, %broadcast_in_dim3A_230, %get3A_215 : vector<1024x128xi1>, vector<1024x128xf32>
      %eq3A_232 = vector.broadcast %broadcast_in_dim3A_224 : vector<1024x1xf32> to vector<1024x128xf32>
      %eq3A_233 = arith.cmpf oeq, %get3A_218, %eq3A_232 : vector<1024x128xf32>
      %select_n3A_234 = arith.select %eq3A_233, %get3A_221, %get3A_218 : vector<1024x128xi1>, vector<1024x128xf32>
      %jit3A_235 = arith.constant 0.000000e+00 : f32
      %broadcast_in_dim3A_236 = vector.broadcast %jit3A_235 : f32 to vector<1024x128xf32>
      %select_n3A_237 = arith.select %eq3A_233, %broadcast_in_dim3A_236, %get3A_221 : vector<1024x128xi1>, vector<1024x128xf32>
      %max3A_238 = arith.maximumf %select_n3A, %select_n3A_234 : vector<1024x128xf32>
      %reduce_max3A_239 = arith.constant dense<0xFF800000> : vector<1024xf32>
      %reduce_max3A_240 = vector.multi_reduction <maximumf>, %max3A_238, %reduce_max3A_239 [1] : vector<1024x128xf32> to vector<1024xf32>
      %broadcast_in_dim3A_241 = vector.shape_cast %reduce_max3A_240 : vector<1024xf32> to vector<1024x1xf32>
      %bitcast_convert_type3A_242 = tpu.bitcast %broadcast_in_dim3A_241 : vector<1024x1xf32> -> vector<1024x1xi32>
      %and3A_243 = arith.constant 131071 : i32
      %and3A_244 = vector.broadcast %and3A_243 : i32 to vector<1024x1xi32>
      %and3A_245 = arith.andi %bitcast_convert_type3A_242, %and3A_244 : vector<1024x1xi32>
      %eq3A_246 = vector.broadcast %broadcast_in_dim3A_241 : vector<1024x1xf32> to vector<1024x128xf32>
      %eq3A_247 = arith.cmpf oeq, %select_n3A, %eq3A_246 : vector<1024x128xf32>
      %select_n3A_248 = arith.select %eq3A_247, %select_n3A_231, %select_n3A : vector<1024x128xi1>, vector<1024x128xf32>
      %jit3A_249 = arith.constant 0.000000e+00 : f32
      %broadcast_in_dim3A_250 = vector.broadcast %jit3A_249 : f32 to vector<1024x128xf32>
      %select_n3A_251 = arith.select %eq3A_247, %broadcast_in_dim3A_250, %select_n3A_231 : vector<1024x128xi1>, vector<1024x128xf32>
      %eq3A_252 = vector.broadcast %broadcast_in_dim3A_241 : vector<1024x1xf32> to vector<1024x128xf32>
      %eq3A_253 = arith.cmpf oeq, %select_n3A_234, %eq3A_252 : vector<1024x128xf32>
      %select_n3A_254 = arith.select %eq3A_253, %select_n3A_237, %select_n3A_234 : vector<1024x128xi1>, vector<1024x128xf32>
      %jit3A_255 = arith.constant 0.000000e+00 : f32
      %broadcast_in_dim3A_256 = vector.broadcast %jit3A_255 : f32 to vector<1024x128xf32>
      %select_n3A_257 = arith.select %eq3A_253, %broadcast_in_dim3A_256, %select_n3A_237 : vector<1024x128xi1>, vector<1024x128xf32>
      %max3A_258 = arith.maximumf %select_n3A_248, %select_n3A_254 : vector<1024x128xf32>
      %reduce_max3A_259 = arith.constant dense<0xFF800000> : vector<1024xf32>
      %reduce_max3A_260 = vector.multi_reduction <maximumf>, %max3A_258, %reduce_max3A_259 [1] : vector<1024x128xf32> to vector<1024xf32>
      %broadcast_in_dim3A_261 = vector.shape_cast %reduce_max3A_260 : vector<1024xf32> to vector<1024x1xf32>
      %bitcast_convert_type3A_262 = tpu.bitcast %broadcast_in_dim3A_261 : vector<1024x1xf32> -> vector<1024x1xi32>
      %and3A_263 = arith.constant 131071 : i32
      %and3A_264 = vector.broadcast %and3A_263 : i32 to vector<1024x1xi32>
      %and3A_265 = arith.andi %bitcast_convert_type3A_262, %and3A_264 : vector<1024x1xi32>
      %eq3A_266 = vector.broadcast %broadcast_in_dim3A_261 : vector<1024x1xf32> to vector<1024x128xf32>
      %eq3A_267 = arith.cmpf oeq, %select_n3A_248, %eq3A_266 : vector<1024x128xf32>
      %select_n3A_268 = arith.select %eq3A_267, %select_n3A_251, %select_n3A_248 : vector<1024x128xi1>, vector<1024x128xf32>
      %jit3A_269 = arith.constant 0.000000e+00 : f32
      %broadcast_in_dim3A_270 = vector.broadcast %jit3A_269 : f32 to vector<1024x128xf32>
      %select_n3A_271 = arith.select %eq3A_267, %broadcast_in_dim3A_270, %select_n3A_251 : vector<1024x128xi1>, vector<1024x128xf32>
      %eq3A_272 = vector.broadcast %broadcast_in_dim3A_261 : vector<1024x1xf32> to vector<1024x128xf32>
      %eq3A_273 = arith.cmpf oeq, %select_n3A_254, %eq3A_272 : vector<1024x128xf32>
      %select_n3A_274 = arith.select %eq3A_273, %select_n3A_257, %select_n3A_254 : vector<1024x128xi1>, vector<1024x128xf32>
      %jit3A_275 = arith.constant 0.000000e+00 : f32
      %broadcast_in_dim3A_276 = vector.broadcast %jit3A_275 : f32 to vector<1024x128xf32>
      %select_n3A_277 = arith.select %eq3A_273, %broadcast_in_dim3A_276, %select_n3A_257 : vector<1024x128xi1>, vector<1024x128xf32>
      %max3A_278 = arith.maximumf %select_n3A_268, %select_n3A_274 : vector<1024x128xf32>
      %reduce_max3A_279 = arith.constant dense<0xFF800000> : vector<1024xf32>
      %reduce_max3A_280 = vector.multi_reduction <maximumf>, %max3A_278, %reduce_max3A_279 [1] : vector<1024x128xf32> to vector<1024xf32>
      %broadcast_in_dim3A_281 = vector.shape_cast %reduce_max3A_280 : vector<1024xf32> to vector<1024x1xf32>
      %bitcast_convert_type3A_282 = tpu.bitcast %broadcast_in_dim3A_281 : vector<1024x1xf32> -> vector<1024x1xi32>
      %and3A_283 = arith.constant 131071 : i32
      %and3A_284 = vector.broadcast %and3A_283 : i32 to vector<1024x1xi32>
      %and3A_285 = arith.andi %bitcast_convert_type3A_282, %and3A_284 : vector<1024x1xi32>
      %eq3A_286 = vector.broadcast %broadcast_in_dim3A_281 : vector<1024x1xf32> to vector<1024x128xf32>
      %eq3A_287 = arith.cmpf oeq, %select_n3A_268, %eq3A_286 : vector<1024x128xf32>
      %select_n3A_288 = arith.select %eq3A_287, %select_n3A_271, %select_n3A_268 : vector<1024x128xi1>, vector<1024x128xf32>
      %jit3A_289 = arith.constant 0.000000e+00 : f32
      %broadcast_in_dim3A_290 = vector.broadcast %jit3A_289 : f32 to vector<1024x128xf32>
      %select_n3A_291 = arith.select %eq3A_287, %broadcast_in_dim3A_290, %select_n3A_271 : vector<1024x128xi1>, vector<1024x128xf32>
      %eq3A_292 = vector.broadcast %broadcast_in_dim3A_281 : vector<1024x1xf32> to vector<1024x128xf32>
      %eq3A_293 = arith.cmpf oeq, %select_n3A_274, %eq3A_292 : vector<1024x128xf32>
      %select_n3A_294 = arith.select %eq3A_293, %select_n3A_277, %select_n3A_274 : vector<1024x128xi1>, vector<1024x128xf32>
      %jit3A_295 = arith.constant 0.000000e+00 : f32
      %broadcast_in_dim3A_296 = vector.broadcast %jit3A_295 : f32 to vector<1024x128xf32>
      %select_n3A_297 = arith.select %eq3A_293, %broadcast_in_dim3A_296, %select_n3A_277 : vector<1024x128xi1>, vector<1024x128xf32>
      %max3A_298 = arith.maximumf %select_n3A_288, %select_n3A_294 : vector<1024x128xf32>
      %reduce_max3A_299 = arith.constant dense<0xFF800000> : vector<1024xf32>
      %reduce_max3A_300 = vector.multi_reduction <maximumf>, %max3A_298, %reduce_max3A_299 [1] : vector<1024x128xf32> to vector<1024xf32>
      %broadcast_in_dim3A_301 = vector.shape_cast %reduce_max3A_300 : vector<1024xf32> to vector<1024x1xf32>
      %bitcast_convert_type3A_302 = tpu.bitcast %broadcast_in_dim3A_301 : vector<1024x1xf32> -> vector<1024x1xi32>
      %and3A_303 = arith.constant 131071 : i32
      %and3A_304 = vector.broadcast %and3A_303 : i32 to vector<1024x1xi32>
      %and3A_305 = arith.andi %bitcast_convert_type3A_302, %and3A_304 : vector<1024x1xi32>
      %eq3A_306 = vector.broadcast %broadcast_in_dim3A_301 : vector<1024x1xf32> to vector<1024x128xf32>
      %eq3A_307 = arith.cmpf oeq, %select_n3A_288, %eq3A_306 : vector<1024x128xf32>
      %select_n3A_308 = arith.select %eq3A_307, %select_n3A_291, %select_n3A_288 : vector<1024x128xi1>, vector<1024x128xf32>
      %jit3A_309 = arith.constant 0.000000e+00 : f32
      %broadcast_in_dim3A_310 = vector.broadcast %jit3A_309 : f32 to vector<1024x128xf32>
      %select_n3A_311 = arith.select %eq3A_307, %broadcast_in_dim3A_310, %select_n3A_291 : vector<1024x128xi1>, vector<1024x128xf32>
      %eq3A_312 = vector.broadcast %broadcast_in_dim3A_301 : vector<1024x1xf32> to vector<1024x128xf32>
      %eq3A_313 = arith.cmpf oeq, %select_n3A_294, %eq3A_312 : vector<1024x128xf32>
      %select_n3A_314 = arith.select %eq3A_313, %select_n3A_297, %select_n3A_294 : vector<1024x128xi1>, vector<1024x128xf32>
      %jit3A_315 = arith.constant 0.000000e+00 : f32
      %broadcast_in_dim3A_316 = vector.broadcast %jit3A_315 : f32 to vector<1024x128xf32>
      %select_n3A_317 = arith.select %eq3A_313, %broadcast_in_dim3A_316, %select_n3A_297 : vector<1024x128xi1>, vector<1024x128xf32>
      %max3A_318 = arith.maximumf %select_n3A_308, %select_n3A_314 : vector<1024x128xf32>
      %reduce_max3A_319 = arith.constant dense<0xFF800000> : vector<1024xf32>
      %reduce_max3A_320 = vector.multi_reduction <maximumf>, %max3A_318, %reduce_max3A_319 [1] : vector<1024x128xf32> to vector<1024xf32>
      %broadcast_in_dim3A_321 = vector.shape_cast %reduce_max3A_320 : vector<1024xf32> to vector<1024x1xf32>
      %bitcast_convert_type3A_322 = tpu.bitcast %broadcast_in_dim3A_321 : vector<1024x1xf32> -> vector<1024x1xi32>
      %and3A_323 = arith.constant 131071 : i32
      %and3A_324 = vector.broadcast %and3A_323 : i32 to vector<1024x1xi32>
      %and3A_325 = arith.andi %bitcast_convert_type3A_322, %and3A_324 : vector<1024x1xi32>
      %eq3A_326 = vector.broadcast %broadcast_in_dim3A_321 : vector<1024x1xf32> to vector<1024x128xf32>
      %eq3A_327 = arith.cmpf oeq, %select_n3A_308, %eq3A_326 : vector<1024x128xf32>
      %select_n3A_328 = arith.select %eq3A_327, %select_n3A_311, %select_n3A_308 : vector<1024x128xi1>, vector<1024x128xf32>
      %jit3A_329 = arith.constant 0.000000e+00 : f32
      %broadcast_in_dim3A_330 = vector.broadcast %jit3A_329 : f32 to vector<1024x128xf32>
      %select_n3A_331 = arith.select %eq3A_327, %broadcast_in_dim3A_330, %select_n3A_311 : vector<1024x128xi1>, vector<1024x128xf32>
      %eq3A_332 = vector.broadcast %broadcast_in_dim3A_321 : vector<1024x1xf32> to vector<1024x128xf32>
      %eq3A_333 = arith.cmpf oeq, %select_n3A_314, %eq3A_332 : vector<1024x128xf32>
      %select_n3A_334 = arith.select %eq3A_333, %select_n3A_317, %select_n3A_314 : vector<1024x128xi1>, vector<1024x128xf32>
      %jit3A_335 = arith.constant 0.000000e+00 : f32
      %broadcast_in_dim3A_336 = vector.broadcast %jit3A_335 : f32 to vector<1024x128xf32>
      %select_n3A_337 = arith.select %eq3A_333, %broadcast_in_dim3A_336, %select_n3A_317 : vector<1024x128xi1>, vector<1024x128xf32>
      %max3A_338 = arith.maximumf %select_n3A_328, %select_n3A_334 : vector<1024x128xf32>
      %reduce_max3A_339 = arith.constant dense<0xFF800000> : vector<1024xf32>
      %reduce_max3A_340 = vector.multi_reduction <maximumf>, %max3A_338, %reduce_max3A_339 [1] : vector<1024x128xf32> to vector<1024xf32>
      %broadcast_in_dim3A_341 = vector.shape_cast %reduce_max3A_340 : vector<1024xf32> to vector<1024x1xf32>
      %bitcast_convert_type3A_342 = tpu.bitcast %broadcast_in_dim3A_341 : vector<1024x1xf32> -> vector<1024x1xi32>
      %and3A_343 = arith.constant 131071 : i32
      %and3A_344 = vector.broadcast %and3A_343 : i32 to vector<1024x1xi32>
      %and3A_345 = arith.andi %bitcast_convert_type3A_342, %and3A_344 : vector<1024x1xi32>
      %eq3A_346 = vector.broadcast %broadcast_in_dim3A_341 : vector<1024x1xf32> to vector<1024x128xf32>
      %eq3A_347 = arith.cmpf oeq, %select_n3A_328, %eq3A_346 : vector<1024x128xf32>
      %select_n3A_348 = arith.select %eq3A_347, %select_n3A_331, %select_n3A_328 : vector<1024x128xi1>, vector<1024x128xf32>
      %eq3A_349 = vector.broadcast %broadcast_in_dim3A_341 : vector<1024x1xf32> to vector<1024x128xf32>
      %eq3A_350 = arith.cmpf oeq, %select_n3A_334, %eq3A_349 : vector<1024x128xf32>
      %select_n3A_351 = arith.select %eq3A_350, %select_n3A_337, %select_n3A_334 : vector<1024x128xi1>, vector<1024x128xf32>
      %max3A_352 = arith.maximumf %select_n3A_348, %select_n3A_351 : vector<1024x128xf32>
      %reduce_max3A_353 = arith.constant dense<0xFF800000> : vector<1024xf32>
      %reduce_max3A_354 = vector.multi_reduction <maximumf>, %max3A_352, %reduce_max3A_353 [1] : vector<1024x128xf32> to vector<1024xf32>
      %broadcast_in_dim3A_355 = vector.shape_cast %reduce_max3A_354 : vector<1024xf32> to vector<1024x1xf32>
      %bitcast_convert_type3A_356 = tpu.bitcast %broadcast_in_dim3A_355 : vector<1024x1xf32> -> vector<1024x1xi32>
      %and3A_357 = arith.constant 131071 : i32
      %and3A_358 = vector.broadcast %and3A_357 : i32 to vector<1024x1xi32>
      %and3A_359 = arith.andi %bitcast_convert_type3A_356, %and3A_358 : vector<1024x1xi32>
      %concatenate3A = tpu.concatenate %and3A_227, %and3A_245, %and3A_265, %and3A_285, %and3A_305, %and3A_325, %and3A_345, %and3A_359 in 1 : vector<1024x1xi32>, vector<1024x1xi32>, vector<1024x1xi32>, vector<1024x1xi32>, vector<1024x1xi32>, vector<1024x1xi32>, vector<1024x1xi32>, vector<1024x1xi32> -> vector<1024x8xi32>
      %swap3A_360 = arith.constant 0 : index
      %swap3A_361 = arith.constant 0 : index
      %swap3A_362 = vector.load %arg3[%swap3A_360, %swap3A_361] : memref<1024x8xi32, #tpu.memory_space<vmem>>, vector<1024x8xi32>
      tpu.vector_store %arg3[%swap3A_360, %swap3A_361], %concatenate3A {strides = array<i32>} : memref<1024x8xi32, #tpu.memory_space<vmem>>, vector<1024x8xi32>,
    } else {
    }
    return
  }
  func.func @transform_0(%arg0: i32) -> (i32, i32) {
    %c0_i32 = arith.constant 0 : i32
    %c0_i32_0 = arith.constant 0 : i32
    %c0_i32_1 = arith.constant 0 : i32
    return %c0_i32, %c0_i32_0 : i32, i32
  }
  func.func @transform_1(%arg0: i32) -> (i32, i32) {
    %c0_i32 = arith.constant 0 : i32
    %c0_i32_0 = arith.constant 0 : i32
    return %arg0, %c0_i32 : i32, i32
  }
  func.func @transform_2(%arg0: i32) -> (i32, i32) {
    %c0_i32 = arith.constant 0 : i32
    %c0_i32_0 = arith.constant 0 : i32
    %c0_i32_1 = arith.constant 0 : i32
    return %c0_i32, %c0_i32_0 : i32, i32
  }
}

</mosaic_0001>

<sc_bundles>
// kernel: kernel.5.cloned.1.call-start
scs
__scs_entry_jumppad:
0x0: {  	(pc) =	sbr.rel $0x88, $3  }
0x1: {  	(tag) =	ssettag $0x0;
	lr =	simm.s32 $0x1  }
0x2: {  	[smem:$0x3F9C] =	sst lr;
	_ =	strace $0xD0000000  }
0x3: {  	_ = 	snop  }
0x4: {  	_ = 	snop  }
0x5: {  	_ = 	snop  }
0x6: {  	_ = 	snop  }
0x7: {  	_ = 	snop  }
__scs_overlays_trampoline_lowered:
0x8: {  	[smem:$0x3FAB] =	sst s0  }
0x9: {  	[smem:$0x3FAC] =	sst s1  }
0xa: {  	[smem:$0x3FAD] =	sst s2  }
0xb: {  	[smem:$0x3FAE] =	sst s3  }
0xc: {  	[smem:$0x3FAF] =	sst s4  }
0xd: {  	[smem:$0x3FB0] =	sst s5  }
0xe: {  	[smem:$0x3FB1] =	sst s6  }
0xf: {  	[smem:$0x3FB2] =	sst s7  }
0x10: {  	[smem:$0x3FB3] =	sst s8  }
0x11: {  	[smem:$0x3FB4] =	sst s9;
	s0 =	simm.s32 @!p0 $0x0  }
0x12: {  	s1 =	sld [smem:$0x3F9A];
	s0 =	simm.s32 @p0 $0x1  }
0x13: {  	[smem:$0x3FB5] =	sst s0;
	s0 =	simm.s32 @!p1 $0x0  }
0x14: {  	s2 =	sld [smem:$0x3F99];
	s0 =	simm.s32 @p1 $0x1  }
0x15: {  	[smem:$0x3FB6] =	sst s0;
	s0 =	simm.s32 @!p2 $0x0  }
0x16: {  	s3 =	sld [smem:$0x3FDB];
	s0 =	simm.s32 @p2 $0x1  }
0x17: {  	s4 =	simm.s32 $0x1BF5;
	[smem:$0x3FB8] =	sst s0  }
0x18: {  	s0 =	sld [smem:$0x3F9B];
	_ =	swait.ge [sflag:s4], $0x0  }
0x19: {  	s7 =	sld [smem:$0x3F9C]  }
0x1a: {  	s8 =	sadd.s32 $0xFFFFE003, lr  }
0x1b: {  	s9 =	sadd.s32 $0xFFFFFEF7, lr;
	s5 =	simm.s32 $0xFFFFFFFF;
	p2 =	slt.u32 s8, $0xFFFFF086  }
0x1c: {  	p1 =	slt.u32 s9, $0xF7A;
	s5 =	simm.s32 @!p2 $0x0  }
0x1d: {  	s5 =	simm.s32 @p1 $0x1;
	p0 =	seq.s32 s7, s2  }
0x1e: {  	s7 =	smul.u32 @!p0 $0xF7A, s2;
	p2 =	seq.s32 @!p0 s5, $0x0  }
0x1f: {  	s9 =	smul.u32 $0xF7A, s1;
	s8 =	simm.s32 @!p0 $0x1BF5;
	p2 =	por !p2, p0  }
0x20: {  	[sflag:s8] =	ssyncset.s32 @!p0 $0xFFFFF086;
	s6 =	sadd.s32 @!p0 s3, s7;
	s7 =	simm.s32 @!p0 $0x108  }
0x21: {  	s3 =	sadd.s32 s3, s9;
	s6 =	sadd.s32 @!p0 $0x88, s6;
	s7 =	simm.s32 @p2 $0x1082  }
0x22: {  	[simem:s7], [sflag:s8] =	dma.local @!p0 [hbm:s6], $0xF7A  }
0x23: {  	s9 =	sor.u32 $0xD0000000, s2;
	s6 =	simm.s32 $0x108;
	_ =	swait.ge @!p0 [sflag:s8], $0x0  }
0x24: {  	s3 =	sadd.s32 $0x88, s3;
	s6 =	simm.s32 @!p1 $0x1082;
	[sflag:s4] =	ssyncset.s32 $0xFFFFF086  }
0x25: {  	[simem:s6], [sflag:s4] =	dma.local [hbm:s3], $0xF7A  }
0x26: {  	[smem:$0x3F9C] =	sst s1;
	(tag) =	ssettag s2;
	_ =	strace s9  }
0x27: {  	s1 =	sld [smem:$0x3FAC]  }
0x28: {  	s2 =	sld [smem:$0x3FAD]  }
0x29: {  	s4 =	sld [smem:$0x3FAF]  }
0x2a: {  	p0 =	seq.s32 s5, $0x0;
	s5 =	sld [smem:$0x3FB0]  }
0x2b: {  	s6 =	sld [smem:$0x3FB1]  }
0x2c: {  	s7 =	sld [smem:$0x3FB2]  }
0x2d: {  	s3 =	simm.s32 $0x108;
	s8 =	sld [smem:$0x3FB3]  }
0x2e: {  	s3 =	simm.s32 @!p0 $0x1082;
	s9 =	sld [smem:$0x3FB4]  }
0x2f: {  	lr =	sadd.s32 s0, s3;
	s0 =	sld [smem:$0x3FAB]  }
0x30: {  	s3 =	sld [smem:$0x3FAE]  }
0x31: {  	[smem:$0x3FB7] =	sst s10  }
0x32: {  	s10 =	sld [smem:$0x3FB5];
	_ =	sdelay $0x3  }
0x33: {  	p0 =	seq.s32 s10, $0x1;
	s10 =	sld [smem:$0x3FB7];
	_ =	sdelay $0x3  }
0x34: {  	[smem:$0x3FB7] =	sst s10  }
0x35: {  	s10 =	sld [smem:$0x3FB6];
	_ =	sdelay $0x3  }
0x36: {  	p1 =	seq.s32 s10, $0x1;
	s10 =	sld [smem:$0x3FB7];
	_ =	sdelay $0x3  }
0x37: {  	[smem:$0x3FB7] =	sst s10  }
0x38: {  	s10 =	sld [smem:$0x3FB8]  }
0x39: {  	_ = 	snop;
	(pc) =	sbr.ind lr, $3  }
0x3a: {  	_ = 	snop  }
0x3b: {  	_ = 	snop  }
0x3c: {  	p2 =	seq.s32 s10, $0x1;
	s10 =	sld [smem:$0x3FB7]  }
0x3d: {  	_ =	shalt  }
0x3e: {  	_ =	shalt  }
0x3f: {  	_ =	shalt  }
0x40: {  	_ =	shalt  }
0x41: {  	_ =	shalt  }
0x42: {  	_ =	shalt  }
0x43: {  	_ =	shalt  }
0x44: {  	_ =	shalt  }
0x45: {  	_ =	shalt  }
0x46: {  	_ =	shalt  }
0x47: {  	_ =	shalt  }
0x48: {  	_ =	shalt  }
0x49: {  	_ =	shalt  }
0x4a: {  	_ =	shalt  }
0x4b: {  	_ =	shalt  }
0x4c: {  	_ =	shalt  }
0x4d: {  	_ =	shalt  }
0x4e: {  	_ =	shalt  }
0x4f: {  	_ =	shalt  }
0x50: {  	_ =	shalt  }
0x51: {  	_ =	shalt  }
0x52: {  	_ =	shalt  }
0x53: {  	_ =	shalt  }
0x54: {  	_ =	shalt  }
0x55: {  	_ =	shalt  }
0x56: {  	_ =	shalt  }
0x57: {  	_ =	shalt  }
0x58: {  	_ =	shalt  }
0x59: {  	_ =	shalt  }
0x5a: {  	_ =	shalt  }
0x5b: {  	_ =	shalt  }
0x5c: {  	_ =	shalt  }
0x5d: {  	_ =	shalt  }
0x5e: {  	_ =	shalt  }
0x5f: {  	_ =	shalt  }
0x60: {  	_ =	shalt  }
0x61: {  	_ =	shalt  }
0x62: {  	_ =	shalt  }
0x63: {  	_ =	shalt  }
0x64: {  	_ =	shalt  }
0x65: {  	_ =	shalt  }
0x66: {  	_ =	shalt  }
0x67: {  	_ =	shalt  }
0x68: {  	_ =	shalt  }
0x69: {  	_ =	shalt  }
0x6a: {  	_ =	shalt  }
0x6b: {  	_ =	shalt  }
0x6c: {  	_ =	shalt  }
0x6d: {  	_ =	shalt  }
0x6e: {  	_ =	shalt  }
0x6f: {  	_ =	shalt  }
0x70: {  	_ =	shalt  }
0x71: {  	_ =	shalt  }
0x72: {  	_ =	shalt  }
0x73: {  	_ =	shalt  }
0x74: {  	_ =	shalt  }
0x75: {  	_ =	shalt  }
0x76: {  	_ =	shalt  }
0x77: {  	_ =	shalt  }
0x78: {  	_ =	shalt  }
0x79: {  	_ =	shalt  }
0x7a: {  	_ =	shalt  }
0x7b: {  	_ =	shalt  }
0x7c: {  	_ =	shalt  }
0x7d: {  	_ =	shalt  }
0x7e: {  	_ =	shalt  }
0x7f: {  	_ =	shalt  }
0x80: {  	_ =	shalt  }
0x81: {  	_ =	shalt  }
0x82: {  	_ =	shalt  }
0x83: {  	_ =	shalt  }
0x84: {  	_ =	shalt  }
0x85: {  	_ =	shalt  }
0x86: {  	_ =	shalt  }
0x87: {  	_ =	shalt  }
.Lfunc_end0:
.L_simem_size_0:
called_computation_lowered:
.L_overlay_start_0:
0x88: {  	s2 =	sld [smem:$0x3FD9]  }
0x89: {  	s3 =	sld [smem:$0x3FFE];
	_ =	sdelay $0x1  }
0x8a: {  	s1 =	srdreg.scid  }
0x8b: {  	s0 =	sand.u32 $0x1, s1  }
0x8c: {  	s17 =	sshll.u32 s0, $0xA;
	s2 =	sadd.s32 s3, s2  }
0x8d: {  	s2 =	sadd.s32 s2, s17  }
0x8e: {  	[smem:$0x3FC3] =	sst s2  }
0x8f: {  	_ = 	snop  }
0x90: {  	s2 =	sld [smem:$0x3FC6]  }
0x91: {  	s18 =	sld [smem:$0x3FC5];
	(tm) =	ssettm $0x1  }
0x92: {  	s4 =	sld [smem:$0x3FFB];
	_ =	sdelay $0x3  }
0x93: {  	_ =	strace s4  }
0x94: {  	s4 =	sld [smem:$0x3FFC];
	_ =	sdelay $0x3  }
0x95: {  	_ =	strace s4  }
0x96: {  	s4 =	sld [smem:$0x3FFD];
	_ =	sdelay $0x3  }
0x97: {  	_ =	strace s4  }
0x98: {  	_ =	strace $0x8FFFFFFF  }
0x99: {  	s19 =	sld [smem:$0x3FDB];
	_ =	sdelay $0x1  }
0x9a: {  	s5 =	simm.s32 $_scs_section_size  }
0x9b: {  	s6 =	simm.s32 $_size__tile_overlayer_lowered;
	s7 =	simm.s32 $_tile_overlayer_lowered  }
0x9c: {  	s22 =	simm.s32 $0x1BFF;
	s21 =	sshll.u32 s7, $0x1;
	s4 =	sadd.s32 s5, s19  }
0x9d: {  	s8 =	simm.s32 $0x0;
	s20 =	sshll.u32 s6, $0x1;
	s6 =	sadd.s32 s21, s4  }
0x9e: {  	[timem:s8], [sflag:s22] =	dma.local [hbm:s6], s20  }
0x9f: {  	_ =	swait.ge [sflag:s22], s20  }
0xa0: {  	s5 =	ssub.s32 $0x0, s20;
	[sflag:s22] =	ssyncset.done $0x0  }
0xa1: {  	[sflag:s22] =	ssyncadd.s32 s5;
	_ =	sdelay $0x1  }
0xa2: {  	s23 =	simm.s32 $0x1B8B  }
0xa3: {  	_ =	swait.ge [sflag:s23], $0x1  }
0xa4: {  	[sflag:s23] =	ssyncset.done $0x0  }
0xa5: {  	s25 =	simm.s32 $0x1B8E;
	s24 =	sld [smem:$0x3FFE];
	[sflag:s23] =	ssyncadd.s32 $0xFFFFFFFF  }
0xa6: {  	s26 =	simm.s32 $execute0_lowered;
	[smem:$0x3FD2] =	sst s25  }
0xa7: {  	s6 =	sshll.u32 s26, $0x1;
	_ =	strace $0x80000046;
	[dreg:$0x1] =	wrdreg $0xFFFFFFFF  }
0xa8: {  	s28 =	simm.s32 $_size_execute0_lowered;
	s4 =	sadd.s32 s4, s6;
	[dreg:$0x0] =	wrdreg $0x0  }
0xa9: {  	s6 =	sshll.u32 s28, $0x1;
	[dreg:$0x2] =	wrdreg s4  }
0xaa: {  	[dreg:$0x3] =	wrdreg s6  }
0xab: {  	[dreg:$0x4] =	wrdreg $0xC0  }
0xac: {  	_ =	task [dreg:s8], $0x5FFFF  }
0xad: {  	[dreg:$0x1] =	wrdreg $0xFFFFFFFF  }
0xae: {  	[dreg:$0x0] =	wrdreg $0x60  }
0xaf: {  	[dreg:$0x2] =	wrdreg s2  }
0xb0: {  	[dreg:$0x3] =	wrdreg s18  }
0xb1: {  	[dreg:$0x4] =	wrdreg s24  }
0xb2: {  	[dreg:$0x5] =	wrdreg $0x9  }
0xb3: {  	_ =	task.clear_ibuf [dreg:s8], $0x6FFFF;
	_ =	strace $0x90000046  }
0xb4: {  	s29 =	simm.s32 $0x9;
	_ =	strace $0x80000048  }
0xb5: {  	_ =	swait.ge [sflag:s29], $0x1  }
0xb6: {  	[sflag:s29] =	ssyncadd.s32 $0xFFFFFFFF  }
0xb7: {  	_ =	strace $0x90000048  }
0xb8: {  	_ =	sfence  }
0xb9: {  	s30 =	sld [smem:$0x0];
	_ =	sdelay $0x2  }
0xba: {  	s31 =	sshll.u32 s1, $0xD;
	s1 =	sshrl.u32 s1, $0x2  }
0xbb: {  	s3 =	sand.u32 $0x4000, s31;
	s1 =	sadd.s32 s1, s30  }
0xbc: {  	s0 =	sor.u32 s3, s0;
	s1 =	sshll.u32 s1, $0x11  }
0xbd: {  	s0 =	sor.u32 s1, s0  }
0xbe: {  	s0 =	sadd.s32 $0x8F2B, s0  }
0xbf: {  	[sflag:s0] =	ssyncadd.remote.s32 $0x1  }
0xc0: {  	_ =	sfence.sel $0xFFFF  }
0xc1: {  	[dreg:$0x0] =	wrdreg $0xFFFFFFFF;
	(pc) =	sbr.abs _section_cstart, $3  }
0xc2: {  	[dreg:$0x1] =	wrdreg $0xFFFFFFFF  }
0xc3: {  	_ =	task.clear_ibuf [dreg:s8], $0x2FFFF;
	_ =	strace $0x9FFFFFFF  }
0xc4: {  	(tm) =	ssettm $0x7FFFFFFF  }
0xc5: {  	_ =	shalt  }
tec
execute0_lowered:
.L_overlay_start_1:
0x0: {  	(tag) =	ssettag $0x1  }
0x1: {  	s2 =	srdreg.scid  }
0x2: {  	s1 =	rddreg [dreg:$0x0];
	s0 =	stileid.u32;
	s14 =	sand.u32 $0x1, s2  }
0x3: {  	s3 =	rddreg [dreg:$0x1];
	s29 =	sshll.u32 s0, $0x9;
	s4 =	sshll.u32 s14, $0x8  }
0x4: {  	s15 =	rddreg [dreg:$0x2];
	s16 =	sor.u32 s4, s29  }
0x5: {  	s2 =	rddreg [dreg:$0x3];
	s4 =	simm.s32 $0x0;
	s5 =	sshrl.u32 s16, $0x3  }
0x6: {  	[smem:$0x7FF] =	sst s4;
	s17 =	sadd.s32 s5, s15  }
0x7: {  	_ =	strace $0x80000047;
	s5 =	simm.s32 $0x3;
	s6 =	sadd.s32 $0x1400, s17  }
0x8: {  	[tilespmem:s4], [sflag:$0x3] =	stream.linear.gather [hbm4b:s6+s4], $0x100, $0x38;
	[tilespmem:$0x8200] =	vst v63  }
0x9: {  	_ =	swait.ge [sflag:s5], $0x100  }
0xa: {  	[sflag:s5] =	ssyncset.done $0x0  }
0xb: {  	s7 =	simm.s32 $0x80;
	s8 =	simm.s32 $0x100;
	[sflag:s5] =	ssyncadd.s32 $0xFFFFFF00  }
0xc: {  	[tilespmem:s8], [sflag:$0x1] =	stream.indirect.gather [hbm4b:s1+s7], $0x80, s4, s7, $0xb8;
	[tilespmem:$0x8200] =	vst v63  }
0xd: {  	s9 =	simm.s32 $0x8100  }
0xe: {  	[tilespmem:s9], [sflag:$0x2] =	stream.indirect.gather [hbm4b:s3+s7], $0x1, s4, s7, $0xb8;
	[tilespmem:$0x8200] =	vst v63  }
0xf: {  	s10 =	simm.s32 $0x4100  }
0x10: {  	[tilespmem:s10], [sflag:$0x1] =	stream.indirect.gather [hbm4b:s1+s7], $0x80, s7, s7, $0xb8;
	[tilespmem:$0x8200] =	vst v63  }
0x11: {  	s11 =	simm.s32 $0x8180;
	s12 =	simm.s32 $0x1  }
0x12: {  	[tilespmem:s11], [sflag:$0x2] =	stream.indirect.gather [hbm4b:s3+s7], $0x1, s7, s7, $0xb8;
	[tilespmem:$0x8200] =	vst v63  }
0x13: {  	_ =	swait.ge [sflag:s12], $0x4000  }
0x14: {  	[sflag:s12] =	ssyncset.done $0x0  }
0x15: {  	s13 =	simm.s32 $0x2;
	[sflag:s12] =	ssyncadd.s32 $0xFFFFC000  }
0x16: {  	_ =	swait.ge [sflag:s13], $0x80  }
0x17: {  	[sflag:s13] =	ssyncset.done $0x0  }
0x18: {  	[sflag:s13] =	ssyncadd.s32 $0xFFFFFF80  }
0x19: {  	_ =	swait.ge [sflag:s12], $0x4000  }
0x1a: {  	[sflag:s12] =	ssyncset.done $0x0  }
0x1b: {  	s30 =	ssub.s32 $0x2, s14;
	[sflag:s12] =	ssyncadd.s32 $0xFFFFC000  }
0x1c: {  	s31 =	sshrl.u32 s30, $0x1;
	s16 =	sshll.u32 s16, $0x4;
	_ =	swait.ge [sflag:s13], $0x80  }
0x1d: {  	s15 =	sadd.s32 s16, s15;
	s16 =	ssub.s32 s30, s31;
	[sflag:s13] =	ssyncset.done $0x0  }
0x1e: {  	s14 =	sadd.s32 $0x1C00, s15;
	s16 =	smax.u32 s16, $0x1;
	[sflag:s13] =	ssyncadd.s32 $0xFFFFFF80  }
0x1f: {  	[hbm4b:s14+s4] =	stream.linear.scatter [tilespmem:s8], [sflag:$0x3], $0x8000, $0x38;
	[tilespmem:$0x8200] =	vst v63  }
0x20: {  	p0 =	sne.s32 s16, $0x1;
	_ =	swait.ge [sflag:s5], $0x8000  }
.Ltmp0:
0x21: {  	[sflag:s5] =	ssyncset.done $0x0;
	(pc) =	sbr.rel @!p0 .LBB2_2-.Ltmp0, $4  }
0x22: {  	s15 =	sadd.s32 $0x1800, s17;
	[sflag:s5] =	ssyncadd.s32 $0xFFFF8000  }
0x23: {  	[hbm4b:s15+s4] =	stream.linear.scatter [tilespmem:s9], [sflag:$0x3], $0x100, $0x38;
	[tilespmem:$0x8200] =	vst v63  }
0x24: {  	_ =	swait.ge [sflag:s5], $0x100  }
0x25: {  	s16 =	sadd.s32 $0xFFFFFFFF, s16;
	[sflag:s5] =	ssyncset.done $0x0  }
.LBB2_1:
0x26: {  	p0 =	sne.s32 s16, $0x1;
	s16 =	sadd.s32 $0xFFFFFFFF, s16;
	[sflag:s5] =	ssyncadd.s32 $0xFFFFFF00  }
0x27: {  	[tilespmem:s4], [sflag:$0x3] =	stream.linear.gather [hbm4b:s6+s4], $0x100, $0x38;
	[tilespmem:$0x8200] =	vst v63  }
0x28: {  	_ =	swait.ge [sflag:s5], $0x100  }
0x29: {  	[sflag:s5] =	ssyncset.done $0x0  }
0x2a: {  	[sflag:s5] =	ssyncadd.s32 $0xFFFFFF00  }
0x2b: {  	[tilespmem:s8], [sflag:$0x1] =	stream.indirect.gather [hbm4b:s1+s7], $0x80, s4, s7, $0xb8;
	[tilespmem:$0x8200] =	vst v63  }
0x2c: {  	_ = 	snop  }
0x2d: {  	[tilespmem:s9], [sflag:$0x2] =	stream.indirect.gather [hbm4b:s3+s7], $0x1, s4, s7, $0xb8;
	[tilespmem:$0x8200] =	vst v63  }
0x2e: {  	_ = 	snop  }
0x2f: {  	[tilespmem:s10], [sflag:$0x1] =	stream.indirect.gather [hbm4b:s1+s7], $0x80, s7, s7, $0xb8;
	[tilespmem:$0x8200] =	vst v63  }
0x30: {  	_ = 	snop  }
0x31: {  	[tilespmem:s11], [sflag:$0x2] =	stream.indirect.gather [hbm4b:s3+s7], $0x1, s7, s7, $0xb8;
	[tilespmem:$0x8200] =	vst v63  }
0x32: {  	_ =	swait.ge [sflag:s12], $0x4000  }
0x33: {  	[sflag:s12] =	ssyncset.done $0x0  }
0x34: {  	[sflag:s12] =	ssyncadd.s32 $0xFFFFC000  }
0x35: {  	_ =	swait.ge [sflag:s13], $0x80  }
0x36: {  	[sflag:s13] =	ssyncset.done $0x0  }
0x37: {  	[sflag:s13] =	ssyncadd.s32 $0xFFFFFF80  }
0x38: {  	_ =	swait.ge [sflag:s12], $0x4000  }
0x39: {  	[sflag:s12] =	ssyncset.done $0x0  }
0x3a: {  	[sflag:s12] =	ssyncadd.s32 $0xFFFFC000  }
0x3b: {  	_ =	swait.ge [sflag:s13], $0x80  }
0x3c: {  	[sflag:s13] =	ssyncset.done $0x0  }
0x3d: {  	[sflag:s13] =	ssyncadd.s32 $0xFFFFFF80  }
0x3e: {  	[hbm4b:s14+s4] =	stream.linear.scatter [tilespmem:s8], [sflag:$0x3], $0x8000, $0x38;
	[tilespmem:$0x8200] =	vst v63  }
0x3f: {  	_ =	swait.ge [sflag:s5], $0x8000  }
.Ltmp1:
0x40: {  	[sflag:s5] =	ssyncset.done $0x0;
	(pc) =	sbr.rel @p0 .LBB2_1-.Ltmp1, $4  }
0x41: {  	[sflag:s5] =	ssyncadd.s32 $0xFFFF8000  }
0x42: {  	[hbm4b:s15+s4] =	stream.linear.scatter [tilespmem:s9], [sflag:$0x3], $0x100, $0x38;
	[tilespmem:$0x8200] =	vst v63  }
0x43: {  	_ =	swait.ge [sflag:s5], $0x100  }
0x44: {  	[sflag:s5] =	ssyncset.done $0x0  }
.LBB2_2:
0x45: {  	[sflag:s5] =	ssyncadd.s32 $0xFFFFFF00  }
0x46: {  	_ =	sfence.sel $0x180000  }
0x47: {  	[bflag:$0x0] =	sbarrier.arrive $0xFFFF  }
0x48: {  	p0 =	sne.s32 s0, $0x0;
	_ =	strace $0x90000047  }
0x49: {  	s0 =	sadd.s32 @!p0 $0x100000, s2;
	[bflag:$0x2] =	sbarrier.arrive $0xFFFF  }
0x4a: {  	[sflag:s0] =	ssyncadd.tile.s32 @!p0 $0x1;
	_ =	shalt  }
.Lfunc_end2:
_tile_overlayer_lowered:
.L_overlay_start_2:
0x4b: {  	(tag) =	ssettag $0x2  }
0x4c: {  	s0 =	rddreg [dreg:$0x0];
	s2 =	stileid.u32  }
0x4d: {  	s1 =	rddreg [dreg:$0x1];
	p0 =	sne.s32 s2, $0x0  }
0x4e: {  	s3 =	rddreg [dreg:$0x2];
	[bflag:$0x3] =	sbarrier.arrive $0xFFFF;
	s2 =	simm.s32 @!p0 $0x1C03  }
0x4f: {  	[timem:s3], [sflag:s2] =	dma.local @!p0 [hbm:s0], s1  }
0x50: {  	s0 =	simm.s32 @!p0 $0x3  }
0x51: {  	_ =	swait.ge @!p0 [sflag:s0], s1  }
0x52: {  	s1 =	ssub.s32 @!p0 $0x0, s1;
	[sflag:s0] =	ssyncset.done @!p0 $0x0  }
0x53: {  	[sflag:s0] =	ssyncadd.s32 @!p0 s1  }
0x54: {  	[bflag:$0x3] =	sbarrier.arrive $0xFFFF  }
0x55: {  	_ =	shalt  }

</sc_bundles>
